<compile_context>
chip_gen: v7x
topology: tpu7x:2x2x1
jax: 0.10.2.dev20260603
libtpu: 0.0.44.dev20260713+nightly
codegen_flags: <defaults>
</compile_context>

<pallas_src>
import functools

import jax
import jax.numpy as jnp
from jax import lax
from jax.experimental import pallas as pl
from jax.experimental.pallas import tpu as pltpu
from jax.experimental.pallas import tpu_sc as plsc

_POS_OFFSET = 2


@functools.lru_cache(maxsize=None)
def _make_sc_lookup(B, S, D, dtype):
    info = plsc.get_sparse_core_info()
    num_workers = info.num_cores * info.num_subcores
    L = info.num_lanes
    rows_per_w = S // num_workers
    rb = 2 * L
    n_chunks = rows_per_w // rb
    mesh = plsc.VectorSubcoreMesh(core_axis_name="c", subcore_axis_name="s")

    nbuf = 3

    def body(table_hbm, out_hbm, *scratch):
        bufs = scratch[:nbuf]
        idxs = scratch[nbuf:2 * nbuf]
        rsems = scratch[2 * nbuf:3 * nbuf]
        wsems = scratch[3 * nbuf:4 * nbuf]
        wid = lax.axis_index("s") * info.num_cores + lax.axis_index("c")
        base = wid * rows_per_w
        pending_writes = {p: [] for p in range(nbuf)}
        reads = {}
        lane = lax.iota(jnp.int32, L)

        def start_read(j):
            p = j % nbuf
            r2 = base + j * rb + _POS_OFFSET
            for v in range(rb // L):
                idxs[p][pl.ds(v * L, L)] = lane + (r2 + v * L)
            reads[j] = pltpu.async_copy(
                table_hbm.at[idxs[p]], bufs[p], rsems[p])

        for j in range(min(nbuf, n_chunks)):
            start_read(j)
        for j in range(n_chunks):
            p = j % nbuf
            reads[j].wait()
            r0 = base + j * rb
            for b in range(B):
                pending_writes[p].append(pltpu.async_copy(
                    bufs[p], out_hbm.at[b, pl.ds(r0, rb), :], wsems[p]))
            nxt = j + nbuf
            if nxt < n_chunks:
                q = nxt % nbuf
                for w in pending_writes[q]:
                    w.wait()
                pending_writes[q] = []
                start_read(nxt)
        for p in range(nbuf):
            for w in pending_writes[p]:
                w.wait()

    return pl.kernel(
        body,
        out_type=jax.ShapeDtypeStruct((B, S, D), dtype),
        mesh=mesh,
        scratch_types=(
            [pltpu.VMEM((rb, D), dtype)] * nbuf
            + [pltpu.VMEM((rb,), jnp.int32)] * nbuf
            + [pltpu.SemaphoreType.DMA] * (2 * nbuf)
        ),
    )


@jax.jit
def kernel(inputs_embeds, table):
    B, S, _ = inputs_embeds.shape
    D = table.shape[1]
    return _make_sc_lookup(B, S, D, table.dtype)(table)

# --- scband reference (transcript-rebuilt; emitter-appended) ---
"""Pipeline reference for scband-positional-embedding-7971459301865 (READ-ONLY COPY).

The authoritative reference and input builder live on the scoring server;
editing this copy changes nothing except your own understanding.
"""

import jax, jax.numpy as jnp
import numpy as np

NUM_EMBEDDINGS = 4096
EMBEDDING_DIM = 1024
OFFSET = 2


def setup_inputs(seed: int = 0) -> dict:
    key = jax.random.key(seed)
    k1, k2 = jax.random.split(key)
    inputs_embeds = jax.random.normal(k1, (4, 4096, EMBEDDING_DIM), dtype=jnp.float32)
    # learned positional embedding table: (num_embeddings + offset, embedding_dim)
    table = jax.random.normal(k2, (NUM_EMBEDDINGS + OFFSET, EMBEDDING_DIM), dtype=jnp.float32) * 0.02
    return {"inputs_embeds": inputs_embeds, "table": table}


def reference(inputs_embeds, table):
    batch_size = inputs_embeds.shape[0]
    seq_len = inputs_embeds.shape[1]
    positions = jnp.arange(0, seq_len, dtype=jnp.int32)
    positions = jnp.broadcast_to(positions[None, :], (batch_size, seq_len))
    positions = positions + OFFSET
    position_embeddings = jnp.take(table, positions, axis=0)
    return position_embeddings

if __name__ == "__main__":
    import jax
    _d = setup_inputs()
    print(jax.jit(kernel)(*tuple(_d.values())))

</pallas_src>

<mosaic_0001>
#map = affine_map<(d0, d1) -> (0, 0)>
#map1 = affine_map<(d0, d1) -> (0, 0, 0)>
module attributes {stable_mosaic.version = 14 : i64} {
  func.func @body(%arg0: i32, %arg1: i32, %arg2: memref<4098x1024xf32, #tpu.memory_space<hbm>>, %arg3: memref<4x4096x1024xf32, #tpu.memory_space<hbm>>, %arg4: memref<32x1024xf32, #tpu.memory_space<vmem>>, %arg5: memref<32x1024xf32, #tpu.memory_space<vmem>>, %arg6: memref<32x1024xf32, #tpu.memory_space<vmem>>, %arg7: memref<32xi32, #tpu.memory_space<vmem>>, %arg8: memref<32xi32, #tpu.memory_space<vmem>>, %arg9: memref<32xi32, #tpu.memory_space<vmem>>, %arg10: memref<!tpu.dma_semaphore, #tpu.memory_space<semaphore_mem>>, %arg11: memref<!tpu.dma_semaphore, #tpu.memory_space<semaphore_mem>>, %arg12: memref<!tpu.dma_semaphore, #tpu.memory_space<semaphore_mem>>, %arg13: memref<!tpu.dma_semaphore, #tpu.memory_space<semaphore_mem>>, %arg14: memref<!tpu.dma_semaphore, #tpu.memory_space<semaphore_mem>>, %arg15: memref<!tpu.dma_semaphore, #tpu.memory_space<semaphore_mem>>) attributes {dimension_semantics = [#tpu.dimension_semantics<core_parallel>, #tpu.dimension_semantics<subcore_parallel>], iteration_bounds = array<i64: 2, 16>, scalar_prefetch = 0 : i64, scratch_operands = 12 : i64, tpu.core_type = #tpu.core_type<sc_vector_subcore>, window_params = [{transform_indices = #map}, {transform_indices = #map1}]} {
    %mul3A = arith.constant 2 : i32
    %mul3A_0 = arith.muli %arg1, %mul3A : i32
    %add3A = arith.addi %mul3A_0, %arg0 : i32
    %mul3A_1 = arith.constant 128 : i32
    %mul3A_2 = arith.muli %add3A, %mul3A_1 : i32
    %iota3A = tpu.iota {dimensions = array<i32: 0>} : vector<16xi32>
    %add3A_3 = arith.constant 0 : i32
    %add3A_4 = arith.addi %mul3A_2, %add3A_3 : i32
    %add3A_5 = arith.constant 2 : i32
    %add3A_6 = arith.addi %add3A_4, %add3A_5 : i32
    %add3A_7 = arith.constant 0 : i32
    %add3A_8 = arith.addi %add3A_6, %add3A_7 : i32
    %add3A_9 = vector.broadcast %add3A_8 : i32 to vector<16xi32>
    %add3A_10 = arith.addi %iota3A, %add3A_9 : vector<16xi32>
    %swap3A = arith.constant 0 : index
    %swap3A_11 = tpu.vector_load %arg7[%swap3A] {strides = array<i32>} : memref<32xi32, #tpu.memory_space<vmem>>, vector<16xi32>,
    %swap3A_12 = vector.shape_cast %swap3A_11 : vector<16xi32> to vector<16xi32>
    %swap3A_13 = vector.shape_cast %add3A_10 : vector<16xi32> to vector<16xi32>
    tpu.vector_store %arg7[%swap3A], %swap3A_13 {strides = array<i32>} : memref<32xi32, #tpu.memory_space<vmem>>, vector<16xi32>,
    %add3A_14 = arith.constant 16 : i32
    %add3A_15 = arith.addi %add3A_6, %add3A_14 : i32
    %add3A_16 = vector.broadcast %add3A_15 : i32 to vector<16xi32>
    %add3A_17 = arith.addi %iota3A, %add3A_16 : vector<16xi32>
    %swap3A_18 = arith.constant 16 : index
    %swap3A_19 = tpu.vector_load %arg7[%swap3A_18] {strides = array<i32>} : memref<32xi32, #tpu.memory_space<vmem>>, vector<16xi32>,
    %swap3A_20 = vector.shape_cast %swap3A_19 : vector<16xi32> to vector<16xi32>
    %swap3A_21 = vector.shape_cast %add3A_17 : vector<16xi32> to vector<16xi32>
    tpu.vector_store %arg7[%swap3A_18], %swap3A_21 {strides = array<i32>} : memref<32xi32, #tpu.memory_space<vmem>>, vector<16xi32>,
    %dma_start3A = arith.constant 0 : i32
    %dma_start3A_22 = arith.constant 0 : i32
    %dma_start3A_23 = tpu.memref_slice %arg2[%dma_start3A, %dma_start3A_22] : memref<4098x1024xf32, #tpu.memory_space<hbm>> -> memref<4098x1024xf32, #tpu.memory_space<hbm>>
    tpu.enqueue_indirect_dma source(%dma_start3A_23 : memref<4098x1024xf32, #tpu.memory_space<hbm>>) target(%arg4 : memref<32x1024xf32, #tpu.memory_space<vmem>>) offsets(%arg7 : memref<32xi32, #tpu.memory_space<vmem>>) semaphore(%arg10 : memref<!tpu.dma_semaphore, #tpu.memory_space<semaphore_mem>>)
    %add3A_24 = arith.constant 32 : i32
    %add3A_25 = arith.addi %mul3A_2, %add3A_24 : i32
    %add3A_26 = arith.constant 2 : i32
    %add3A_27 = arith.addi %add3A_25, %add3A_26 : i32
    %add3A_28 = arith.constant 0 : i32
    %add3A_29 = arith.addi %add3A_27, %add3A_28 : i32
    %add3A_30 = vector.broadcast %add3A_29 : i32 to vector<16xi32>
    %add3A_31 = arith.addi %iota3A, %add3A_30 : vector<16xi32>
    %swap3A_32 = arith.constant 0 : index
    %swap3A_33 = tpu.vector_load %arg8[%swap3A_32] {strides = array<i32>} : memref<32xi32, #tpu.memory_space<vmem>>, vector<16xi32>,
    %swap3A_34 = vector.shape_cast %swap3A_33 : vector<16xi32> to vector<16xi32>
    %swap3A_35 = vector.shape_cast %add3A_31 : vector<16xi32> to vector<16xi32>
    tpu.vector_store %arg8[%swap3A_32], %swap3A_35 {strides = array<i32>} : memref<32xi32, #tpu.memory_space<vmem>>, vector<16xi32>,
    %add3A_36 = arith.constant 16 : i32
    %add3A_37 = arith.addi %add3A_27, %add3A_36 : i32
    %add3A_38 = vector.broadcast %add3A_37 : i32 to vector<16xi32>
    %add3A_39 = arith.addi %iota3A, %add3A_38 : vector<16xi32>
    %swap3A_40 = arith.constant 16 : index
    %swap3A_41 = tpu.vector_load %arg8[%swap3A_40] {strides = array<i32>} : memref<32xi32, #tpu.memory_space<vmem>>, vector<16xi32>,
    %swap3A_42 = vector.shape_cast %swap3A_41 : vector<16xi32> to vector<16xi32>
    %swap3A_43 = vector.shape_cast %add3A_39 : vector<16xi32> to vector<16xi32>
    tpu.vector_store %arg8[%swap3A_40], %swap3A_43 {strides = array<i32>} : memref<32xi32, #tpu.memory_space<vmem>>, vector<16xi32>,
    %dma_start3A_44 = arith.constant 0 : i32
    %dma_start3A_45 = arith.constant 0 : i32
    %dma_start3A_46 = tpu.memref_slice %arg2[%dma_start3A_44, %dma_start3A_45] : memref<4098x1024xf32, #tpu.memory_space<hbm>> -> memref<4098x1024xf32, #tpu.memory_space<hbm>>
    tpu.enqueue_indirect_dma source(%dma_start3A_46 : memref<4098x1024xf32, #tpu.memory_space<hbm>>) target(%arg5 : memref<32x1024xf32, #tpu.memory_space<vmem>>) offsets(%arg8 : memref<32xi32, #tpu.memory_space<vmem>>) semaphore(%arg11 : memref<!tpu.dma_semaphore, #tpu.memory_space<semaphore_mem>>)
    %add3A_47 = arith.constant 64 : i32
    %add3A_48 = arith.addi %mul3A_2, %add3A_47 : i32
    %add3A_49 = arith.constant 2 : i32
    %add3A_50 = arith.addi %add3A_48, %add3A_49 : i32
    %add3A_51 = arith.constant 0 : i32
    %add3A_52 = arith.addi %add3A_50, %add3A_51 : i32
    %add3A_53 = vector.broadcast %add3A_52 : i32 to vector<16xi32>
    %add3A_54 = arith.addi %iota3A, %add3A_53 : vector<16xi32>
    %swap3A_55 = arith.constant 0 : index
    %swap3A_56 = tpu.vector_load %arg9[%swap3A_55] {strides = array<i32>} : memref<32xi32, #tpu.memory_space<vmem>>, vector<16xi32>,
    %swap3A_57 = vector.shape_cast %swap3A_56 : vector<16xi32> to vector<16xi32>
    %swap3A_58 = vector.shape_cast %add3A_54 : vector<16xi32> to vector<16xi32>
    tpu.vector_store %arg9[%swap3A_55], %swap3A_58 {strides = array<i32>} : memref<32xi32, #tpu.memory_space<vmem>>, vector<16xi32>,
    %add3A_59 = arith.constant 16 : i32
    %add3A_60 = arith.addi %add3A_50, %add3A_59 : i32
    %add3A_61 = vector.broadcast %add3A_60 : i32 to vector<16xi32>
    %add3A_62 = arith.addi %iota3A, %add3A_61 : vector<16xi32>
    %swap3A_63 = arith.constant 16 : index
    %swap3A_64 = tpu.vector_load %arg9[%swap3A_63] {strides = array<i32>} : memref<32xi32, #tpu.memory_space<vmem>>, vector<16xi32>,
    %swap3A_65 = vector.shape_cast %swap3A_64 : vector<16xi32> to vector<16xi32>
    %swap3A_66 = vector.shape_cast %add3A_62 : vector<16xi32> to vector<16xi32>
    tpu.vector_store %arg9[%swap3A_63], %swap3A_66 {strides = array<i32>} : memref<32xi32, #tpu.memory_space<vmem>>, vector<16xi32>,
    %dma_start3A_67 = arith.constant 0 : i32
    %dma_start3A_68 = arith.constant 0 : i32
    %dma_start3A_69 = tpu.memref_slice %arg2[%dma_start3A_67, %dma_start3A_68] : memref<4098x1024xf32, #tpu.memory_space<hbm>> -> memref<4098x1024xf32, #tpu.memory_space<hbm>>
    tpu.enqueue_indirect_dma source(%dma_start3A_69 : memref<4098x1024xf32, #tpu.memory_space<hbm>>) target(%arg6 : memref<32x1024xf32, #tpu.memory_space<vmem>>) offsets(%arg9 : memref<32xi32, #tpu.memory_space<vmem>>) semaphore(%arg12 : memref<!tpu.dma_semaphore, #tpu.memory_space<semaphore_mem>>)
    %dma_wait3A = arith.constant 0 : i32
    %dma_wait3A_70 = arith.constant 0 : i32
    %dma_wait3A_71 = tpu.memref_slice %arg2[%dma_wait3A, %dma_wait3A_70] : memref<4098x1024xf32, #tpu.memory_space<hbm>> -> memref<4098x1024xf32, #tpu.memory_space<hbm>>
    tpu.wait_indirect_dma semaphore(%arg10 : memref<!tpu.dma_semaphore, #tpu.memory_space<semaphore_mem>>) src(%dma_wait3A_71 : memref<4098x1024xf32, #tpu.memory_space<hbm>>) dst(%arg4 : memref<32x1024xf32, #tpu.memory_space<vmem>>)
    %add3A_72 = arith.constant 0 : i32
    %add3A_73 = arith.addi %mul3A_2, %add3A_72 : i32
    %dma_start3A_74 = arith.constant 0 : i32
    %dma_start3A_75 = arith.constant 0 : i32
    %dma_start3A_76 = tpu.memref_slice %arg3[%dma_start3A_74, %add3A_73, %dma_start3A_75] : memref<4x4096x1024xf32, #tpu.memory_space<hbm>> -> memref<1x32x1024xf32, #tpu.memory_space<hbm>>
    %dma_start3A_77 = tpu.memref_squeeze %dma_start3A_76 : memref<1x32x1024xf32, #tpu.memory_space<hbm>> -> memref<32x1024xf32, #tpu.memory_space<hbm>>
    %dma_start3A_78 = arith.constant 0 : i32
    %dma_start3A_79 = tpu.memref_slice %arg3[%dma_start3A_74, %add3A_73, %dma_start3A_78] : memref<4x4096x1024xf32, #tpu.memory_space<hbm>> -> memref<1x32x1024xf32, #tpu.memory_space<hbm>>
    %dma_start3A_80 = tpu.memref_squeeze %dma_start3A_79 : memref<1x32x1024xf32, #tpu.memory_space<hbm>> -> memref<32x1024xf32, #tpu.memory_space<hbm>>
    tpu.enqueue_dma source(%arg4 : memref<32x1024xf32, #tpu.memory_space<vmem>>) target(%dma_start3A_80 : memref<32x1024xf32, #tpu.memory_space<hbm>>) target_semaphore(%arg13 : memref<!tpu.dma_semaphore, #tpu.memory_space<semaphore_mem>>)
    %dma_start3A_81 = arith.constant 1 : i32
    %dma_start3A_82 = arith.constant 0 : i32
    %dma_start3A_83 = tpu.memref_slice %arg3[%dma_start3A_81, %add3A_73, %dma_start3A_82] : memref<4x4096x1024xf32, #tpu.memory_space<hbm>> -> memref<1x32x1024xf32, #tpu.memory_space<hbm>>
    %dma_start3A_84 = tpu.memref_squeeze %dma_start3A_83 : memref<1x32x1024xf32, #tpu.memory_space<hbm>> -> memref<32x1024xf32, #tpu.memory_space<hbm>>
    %dma_start3A_85 = arith.constant 0 : i32
    %dma_start3A_86 = tpu.memref_slice %arg3[%dma_start3A_81, %add3A_73, %dma_start3A_85] : memref<4x4096x1024xf32, #tpu.memory_space<hbm>> -> memref<1x32x1024xf32, #tpu.memory_space<hbm>>
    %dma_start3A_87 = tpu.memref_squeeze %dma_start3A_86 : memref<1x32x1024xf32, #tpu.memory_space<hbm>> -> memref<32x1024xf32, #tpu.memory_space<hbm>>
    tpu.enqueue_dma source(%arg4 : memref<32x1024xf32, #tpu.memory_space<vmem>>) target(%dma_start3A_87 : memref<32x1024xf32, #tpu.memory_space<hbm>>) target_semaphore(%arg13 : memref<!tpu.dma_semaphore, #tpu.memory_space<semaphore_mem>>)
    %dma_start3A_88 = arith.constant 2 : i32
    %dma_start3A_89 = arith.constant 0 : i32
    %dma_start3A_90 = tpu.memref_slice %arg3[%dma_start3A_88, %add3A_73, %dma_start3A_89] : memref<4x4096x1024xf32, #tpu.memory_space<hbm>> -> memref<1x32x1024xf32, #tpu.memory_space<hbm>>
    %dma_start3A_91 = tpu.memref_squeeze %dma_start3A_90 : memref<1x32x1024xf32, #tpu.memory_space<hbm>> -> memref<32x1024xf32, #tpu.memory_space<hbm>>
    %dma_start3A_92 = arith.constant 0 : i32
    %dma_start3A_93 = tpu.memref_slice %arg3[%dma_start3A_88, %add3A_73, %dma_start3A_92] : memref<4x4096x1024xf32, #tpu.memory_space<hbm>> -> memref<1x32x1024xf32, #tpu.memory_space<hbm>>
    %dma_start3A_94 = tpu.memref_squeeze %dma_start3A_93 : memref<1x32x1024xf32, #tpu.memory_space<hbm>> -> memref<32x1024xf32, #tpu.memory_space<hbm>>
    tpu.enqueue_dma source(%arg4 : memref<32x1024xf32, #tpu.memory_space<vmem>>) target(%dma_start3A_94 : memref<32x1024xf32, #tpu.memory_space<hbm>>) target_semaphore(%arg13 : memref<!tpu.dma_semaphore, #tpu.memory_space<semaphore_mem>>)
    %dma_start3A_95 = arith.constant 3 : i32
    %dma_start3A_96 = arith.constant 0 : i32
    %dma_start3A_97 = tpu.memref_slice %arg3[%dma_start3A_95, %add3A_73, %dma_start3A_96] : memref<4x4096x1024xf32, #tpu.memory_space<hbm>> -> memref<1x32x1024xf32, #tpu.memory_space<hbm>>
    %dma_start3A_98 = tpu.memref_squeeze %dma_start3A_97 : memref<1x32x1024xf32, #tpu.memory_space<hbm>> -> memref<32x1024xf32, #tpu.memory_space<hbm>>
    %dma_start3A_99 = arith.constant 0 : i32
    %dma_start3A_100 = tpu.memref_slice %arg3[%dma_start3A_95, %add3A_73, %dma_start3A_99] : memref<4x4096x1024xf32, #tpu.memory_space<hbm>> -> memref<1x32x1024xf32, #tpu.memory_space<hbm>>
    %dma_start3A_101 = tpu.memref_squeeze %dma_start3A_100 : memref<1x32x1024xf32, #tpu.memory_space<hbm>> -> memref<32x1024xf32, #tpu.memory_space<hbm>>
    tpu.enqueue_dma source(%arg4 : memref<32x1024xf32, #tpu.memory_space<vmem>>) target(%dma_start3A_101 : memref<32x1024xf32, #tpu.memory_space<hbm>>) target_semaphore(%arg13 : memref<!tpu.dma_semaphore, #tpu.memory_space<semaphore_mem>>)
    %dma_wait3A_102 = arith.constant 0 : i32
    %dma_wait3A_103 = arith.constant 0 : i32
    %dma_wait3A_104 = tpu.memref_slice %arg3[%dma_wait3A_102, %add3A_73, %dma_wait3A_103] : memref<4x4096x1024xf32, #tpu.memory_space<hbm>> -> memref<1x32x1024xf32, #tpu.memory_space<hbm>>
    %dma_wait3A_105 = tpu.memref_squeeze %dma_wait3A_104 : memref<1x32x1024xf32, #tpu.memory_space<hbm>> -> memref<32x1024xf32, #tpu.memory_space<hbm>>
    %dma_wait3A_106 = arith.constant 0 : i32
    %dma_wait3A_107 = tpu.memref_slice %arg3[%dma_wait3A_102, %add3A_73, %dma_wait3A_106] : memref<4x4096x1024xf32, #tpu.memory_space<hbm>> -> memref<1x32x1024xf32, #tpu.memory_space<hbm>>
    %dma_wait3A_108 = tpu.memref_squeeze %dma_wait3A_107 : memref<1x32x1024xf32, #tpu.memory_space<hbm>> -> memref<32x1024xf32, #tpu.memory_space<hbm>>
    tpu.wait_dma2 semaphore(%arg13 : memref<!tpu.dma_semaphore, #tpu.memory_space<semaphore_mem>>) src(%arg4 : memref<32x1024xf32, #tpu.memory_space<vmem>>) dst(%dma_wait3A_108 : memref<32x1024xf32, #tpu.memory_space<hbm>>)
    %dma_wait3A_109 = arith.constant 1 : i32
    %dma_wait3A_110 = arith.constant 0 : i32
    %dma_wait3A_111 = tpu.memref_slice %arg3[%dma_wait3A_109, %add3A_73, %dma_wait3A_110] : memref<4x4096x1024xf32, #tpu.memory_space<hbm>> -> memref<1x32x1024xf32, #tpu.memory_space<hbm>>
    %dma_wait3A_112 = tpu.memref_squeeze %dma_wait3A_111 : memref<1x32x1024xf32, #tpu.memory_space<hbm>> -> memref<32x1024xf32, #tpu.memory_space<hbm>>
    %dma_wait3A_113 = arith.constant 0 : i32
    %dma_wait3A_114 = tpu.memref_slice %arg3[%dma_wait3A_109, %add3A_73, %dma_wait3A_113] : memref<4x4096x1024xf32, #tpu.memory_space<hbm>> -> memref<1x32x1024xf32, #tpu.memory_space<hbm>>
    %dma_wait3A_115 = tpu.memref_squeeze %dma_wait3A_114 : memref<1x32x1024xf32, #tpu.memory_space<hbm>> -> memref<32x1024xf32, #tpu.memory_space<hbm>>
    tpu.wait_dma2 semaphore(%arg13 : memref<!tpu.dma_semaphore, #tpu.memory_space<semaphore_mem>>) src(%arg4 : memref<32x1024xf32, #tpu.memory_space<vmem>>) dst(%dma_wait3A_115 : memref<32x1024xf32, #tpu.memory_space<hbm>>)
    %dma_wait3A_116 = arith.constant 2 : i32
    %dma_wait3A_117 = arith.constant 0 : i32
    %dma_wait3A_118 = tpu.memref_slice %arg3[%dma_wait3A_116, %add3A_73, %dma_wait3A_117] : memref<4x4096x1024xf32, #tpu.memory_space<hbm>> -> memref<1x32x1024xf32, #tpu.memory_space<hbm>>
    %dma_wait3A_119 = tpu.memref_squeeze %dma_wait3A_118 : memref<1x32x1024xf32, #tpu.memory_space<hbm>> -> memref<32x1024xf32, #tpu.memory_space<hbm>>
    %dma_wait3A_120 = arith.constant 0 : i32
    %dma_wait3A_121 = tpu.memref_slice %arg3[%dma_wait3A_116, %add3A_73, %dma_wait3A_120] : memref<4x4096x1024xf32, #tpu.memory_space<hbm>> -> memref<1x32x1024xf32, #tpu.memory_space<hbm>>
    %dma_wait3A_122 = tpu.memref_squeeze %dma_wait3A_121 : memref<1x32x1024xf32, #tpu.memory_space<hbm>> -> memref<32x1024xf32, #tpu.memory_space<hbm>>
    tpu.wait_dma2 semaphore(%arg13 : memref<!tpu.dma_semaphore, #tpu.memory_space<semaphore_mem>>) src(%arg4 : memref<32x1024xf32, #tpu.memory_space<vmem>>) dst(%dma_wait3A_122 : memref<32x1024xf32, #tpu.memory_space<hbm>>)
    %dma_wait3A_123 = arith.constant 3 : i32
    %dma_wait3A_124 = arith.constant 0 : i32
    %dma_wait3A_125 = tpu.memref_slice %arg3[%dma_wait3A_123, %add3A_73, %dma_wait3A_124] : memref<4x4096x1024xf32, #tpu.memory_space<hbm>> -> memref<1x32x1024xf32, #tpu.memory_space<hbm>>
    %dma_wait3A_126 = tpu.memref_squeeze %dma_wait3A_125 : memref<1x32x1024xf32, #tpu.memory_space<hbm>> -> memref<32x1024xf32, #tpu.memory_space<hbm>>
    %dma_wait3A_127 = arith.constant 0 : i32
    %dma_wait3A_128 = tpu.memref_slice %arg3[%dma_wait3A_123, %add3A_73, %dma_wait3A_127] : memref<4x4096x1024xf32, #tpu.memory_space<hbm>> -> memref<1x32x1024xf32, #tpu.memory_space<hbm>>
    %dma_wait3A_129 = tpu.memref_squeeze %dma_wait3A_128 : memref<1x32x1024xf32, #tpu.memory_space<hbm>> -> memref<32x1024xf32, #tpu.memory_space<hbm>>
    tpu.wait_dma2 semaphore(%arg13 : memref<!tpu.dma_semaphore, #tpu.memory_space<semaphore_mem>>) src(%arg4 : memref<32x1024xf32, #tpu.memory_space<vmem>>) dst(%dma_wait3A_129 : memref<32x1024xf32, #tpu.memory_space<hbm>>)
    %add3A_130 = arith.constant 96 : i32
    %add3A_131 = arith.addi %mul3A_2, %add3A_130 : i32
    %add3A_132 = arith.constant 2 : i32
    %add3A_133 = arith.addi %add3A_131, %add3A_132 : i32
    %add3A_134 = arith.constant 0 : i32
    %add3A_135 = arith.addi %add3A_133, %add3A_134 : i32
    %add3A_136 = vector.broadcast %add3A_135 : i32 to vector<16xi32>
    %add3A_137 = arith.addi %iota3A, %add3A_136 : vector<16xi32>
    %swap3A_138 = arith.constant 0 : index
    %swap3A_139 = tpu.vector_load %arg7[%swap3A_138] {strides = array<i32>} : memref<32xi32, #tpu.memory_space<vmem>>, vector<16xi32>,
    %swap3A_140 = vector.shape_cast %swap3A_139 : vector<16xi32> to vector<16xi32>
    %swap3A_141 = vector.shape_cast %add3A_137 : vector<16xi32> to vector<16xi32>
    tpu.vector_store %arg7[%swap3A_138], %swap3A_141 {strides = array<i32>} : memref<32xi32, #tpu.memory_space<vmem>>, vector<16xi32>,
    %add3A_142 = arith.constant 16 : i32
    %add3A_143 = arith.addi %add3A_133, %add3A_142 : i32
    %add3A_144 = vector.broadcast %add3A_143 : i32 to vector<16xi32>
    %add3A_145 = arith.addi %iota3A, %add3A_144 : vector<16xi32>
    %swap3A_146 = arith.constant 16 : index
    %swap3A_147 = tpu.vector_load %arg7[%swap3A_146] {strides = array<i32>} : memref<32xi32, #tpu.memory_space<vmem>>, vector<16xi32>,
    %swap3A_148 = vector.shape_cast %swap3A_147 : vector<16xi32> to vector<16xi32>
    %swap3A_149 = vector.shape_cast %add3A_145 : vector<16xi32> to vector<16xi32>
    tpu.vector_store %arg7[%swap3A_146], %swap3A_149 {strides = array<i32>} : memref<32xi32, #tpu.memory_space<vmem>>, vector<16xi32>,
    %dma_start3A_150 = arith.constant 0 : i32
    %dma_start3A_151 = arith.constant 0 : i32
    %dma_start3A_152 = tpu.memref_slice %arg2[%dma_start3A_150, %dma_start3A_151] : memref<4098x1024xf32, #tpu.memory_space<hbm>> -> memref<4098x1024xf32, #tpu.memory_space<hbm>>
    tpu.enqueue_indirect_dma source(%dma_start3A_152 : memref<4098x1024xf32, #tpu.memory_space<hbm>>) target(%arg4 : memref<32x1024xf32, #tpu.memory_space<vmem>>) offsets(%arg7 : memref<32xi32, #tpu.memory_space<vmem>>) semaphore(%arg10 : memref<!tpu.dma_semaphore, #tpu.memory_space<semaphore_mem>>)
    %dma_wait3A_153 = arith.constant 0 : i32
    %dma_wait3A_154 = arith.constant 0 : i32
    %dma_wait3A_155 = tpu.memref_slice %arg2[%dma_wait3A_153, %dma_wait3A_154] : memref<4098x1024xf32, #tpu.memory_space<hbm>> -> memref<4098x1024xf32, #tpu.memory_space<hbm>>
    tpu.wait_indirect_dma semaphore(%arg11 : memref<!tpu.dma_semaphore, #tpu.memory_space<semaphore_mem>>) src(%dma_wait3A_155 : memref<4098x1024xf32, #tpu.memory_space<hbm>>) dst(%arg5 : memref<32x1024xf32, #tpu.memory_space<vmem>>)
    %add3A_156 = arith.constant 32 : i32
    %add3A_157 = arith.addi %mul3A_2, %add3A_156 : i32
    %dma_start3A_158 = arith.constant 0 : i32
    %dma_start3A_159 = arith.constant 0 : i32
    %dma_start3A_160 = tpu.memref_slice %arg3[%dma_start3A_158, %add3A_157, %dma_start3A_159] : memref<4x4096x1024xf32, #tpu.memory_space<hbm>> -> memref<1x32x1024xf32, #tpu.memory_space<hbm>>
    %dma_start3A_161 = tpu.memref_squeeze %dma_start3A_160 : memref<1x32x1024xf32, #tpu.memory_space<hbm>> -> memref<32x1024xf32, #tpu.memory_space<hbm>>
    %dma_start3A_162 = arith.constant 0 : i32
    %dma_start3A_163 = tpu.memref_slice %arg3[%dma_start3A_158, %add3A_157, %dma_start3A_162] : memref<4x4096x1024xf32, #tpu.memory_space<hbm>> -> memref<1x32x1024xf32, #tpu.memory_space<hbm>>
    %dma_start3A_164 = tpu.memref_squeeze %dma_start3A_163 : memref<1x32x1024xf32, #tpu.memory_space<hbm>> -> memref<32x1024xf32, #tpu.memory_space<hbm>>
    tpu.enqueue_dma source(%arg5 : memref<32x1024xf32, #tpu.memory_space<vmem>>) target(%dma_start3A_164 : memref<32x1024xf32, #tpu.memory_space<hbm>>) target_semaphore(%arg14 : memref<!tpu.dma_semaphore, #tpu.memory_space<semaphore_mem>>)
    %dma_start3A_165 = arith.constant 1 : i32
    %dma_start3A_166 = arith.constant 0 : i32
    %dma_start3A_167 = tpu.memref_slice %arg3[%dma_start3A_165, %add3A_157, %dma_start3A_166] : memref<4x4096x1024xf32, #tpu.memory_space<hbm>> -> memref<1x32x1024xf32, #tpu.memory_space<hbm>>
    %dma_start3A_168 = tpu.memref_squeeze %dma_start3A_167 : memref<1x32x1024xf32, #tpu.memory_space<hbm>> -> memref<32x1024xf32, #tpu.memory_space<hbm>>
    %dma_start3A_169 = arith.constant 0 : i32
    %dma_start3A_170 = tpu.memref_slice %arg3[%dma_start3A_165, %add3A_157, %dma_start3A_169] : memref<4x4096x1024xf32, #tpu.memory_space<hbm>> -> memref<1x32x1024xf32, #tpu.memory_space<hbm>>
    %dma_start3A_171 = tpu.memref_squeeze %dma_start3A_170 : memref<1x32x1024xf32, #tpu.memory_space<hbm>> -> memref<32x1024xf32, #tpu.memory_space<hbm>>
    tpu.enqueue_dma source(%arg5 : memref<32x1024xf32, #tpu.memory_space<vmem>>) target(%dma_start3A_171 : memref<32x1024xf32, #tpu.memory_space<hbm>>) target_semaphore(%arg14 : memref<!tpu.dma_semaphore, #tpu.memory_space<semaphore_mem>>)
    %dma_start3A_172 = arith.constant 2 : i32
    %dma_start3A_173 = arith.constant 0 : i32
    %dma_start3A_174 = tpu.memref_slice %arg3[%dma_start3A_172, %add3A_157, %dma_start3A_173] : memref<4x4096x1024xf32, #tpu.memory_space<hbm>> -> memref<1x32x1024xf32, #tpu.memory_space<hbm>>
    %dma_start3A_175 = tpu.memref_squeeze %dma_start3A_174 : memref<1x32x1024xf32, #tpu.memory_space<hbm>> -> memref<32x1024xf32, #tpu.memory_space<hbm>>
    %dma_start3A_176 = arith.constant 0 : i32
    %dma_start3A_177 = tpu.memref_slice %arg3[%dma_start3A_172, %add3A_157, %dma_start3A_176] : memref<4x4096x1024xf32, #tpu.memory_space<hbm>> -> memref<1x32x1024xf32, #tpu.memory_space<hbm>>
    %dma_start3A_178 = tpu.memref_squeeze %dma_start3A_177 : memref<1x32x1024xf32, #tpu.memory_space<hbm>> -> memref<32x1024xf32, #tpu.memory_space<hbm>>
    tpu.enqueue_dma source(%arg5 : memref<32x1024xf32, #tpu.memory_space<vmem>>) target(%dma_start3A_178 : memref<32x1024xf32, #tpu.memory_space<hbm>>) target_semaphore(%arg14 : memref<!tpu.dma_semaphore, #tpu.memory_space<semaphore_mem>>)
    %dma_start3A_179 = arith.constant 3 : i32
    %dma_start3A_180 = arith.constant 0 : i32
    %dma_start3A_181 = tpu.memref_slice %arg3[%dma_start3A_179, %add3A_157, %dma_start3A_180] : memref<4x4096x1024xf32, #tpu.memory_space<hbm>> -> memref<1x32x1024xf32, #tpu.memory_space<hbm>>
    %dma_start3A_182 = tpu.memref_squeeze %dma_start3A_181 : memref<1x32x1024xf32, #tpu.memory_space<hbm>> -> memref<32x1024xf32, #tpu.memory_space<hbm>>
    %dma_start3A_183 = arith.constant 0 : i32
    %dma_start3A_184 = tpu.memref_slice %arg3[%dma_start3A_179, %add3A_157, %dma_start3A_183] : memref<4x4096x1024xf32, #tpu.memory_space<hbm>> -> memref<1x32x1024xf32, #tpu.memory_space<hbm>>
    %dma_start3A_185 = tpu.memref_squeeze %dma_start3A_184 : memref<1x32x1024xf32, #tpu.memory_space<hbm>> -> memref<32x1024xf32, #tpu.memory_space<hbm>>
    tpu.enqueue_dma source(%arg5 : memref<32x1024xf32, #tpu.memory_space<vmem>>) target(%dma_start3A_185 : memref<32x1024xf32, #tpu.memory_space<hbm>>) target_semaphore(%arg14 : memref<!tpu.dma_semaphore, #tpu.memory_space<semaphore_mem>>)
    %dma_wait3A_186 = arith.constant 0 : i32
    %dma_wait3A_187 = arith.constant 0 : i32
    %dma_wait3A_188 = tpu.memref_slice %arg2[%dma_wait3A_186, %dma_wait3A_187] : memref<4098x1024xf32, #tpu.memory_space<hbm>> -> memref<4098x1024xf32, #tpu.memory_space<hbm>>
    tpu.wait_indirect_dma semaphore(%arg12 : memref<!tpu.dma_semaphore, #tpu.memory_space<semaphore_mem>>) src(%dma_wait3A_188 : memref<4098x1024xf32, #tpu.memory_space<hbm>>) dst(%arg6 : memref<32x1024xf32, #tpu.memory_space<vmem>>)
    %add3A_189 = arith.constant 64 : i32
    %add3A_190 = arith.addi %mul3A_2, %add3A_189 : i32
    %dma_start3A_191 = arith.constant 0 : i32
    %dma_start3A_192 = arith.constant 0 : i32
    %dma_start3A_193 = tpu.memref_slice %arg3[%dma_start3A_191, %add3A_190, %dma_start3A_192] : memref<4x4096x1024xf32, #tpu.memory_space<hbm>> -> memref<1x32x1024xf32, #tpu.memory_space<hbm>>
    %dma_start3A_194 = tpu.memref_squeeze %dma_start3A_193 : memref<1x32x1024xf32, #tpu.memory_space<hbm>> -> memref<32x1024xf32, #tpu.memory_space<hbm>>
    %dma_start3A_195 = arith.constant 0 : i32
    %dma_start3A_196 = tpu.memref_slice %arg3[%dma_start3A_191, %add3A_190, %dma_start3A_195] : memref<4x4096x1024xf32, #tpu.memory_space<hbm>> -> memref<1x32x1024xf32, #tpu.memory_space<hbm>>
    %dma_start3A_197 = tpu.memref_squeeze %dma_start3A_196 : memref<1x32x1024xf32, #tpu.memory_space<hbm>> -> memref<32x1024xf32, #tpu.memory_space<hbm>>
    tpu.enqueue_dma source(%arg6 : memref<32x1024xf32, #tpu.memory_space<vmem>>) target(%dma_start3A_197 : memref<32x1024xf32, #tpu.memory_space<hbm>>) target_semaphore(%arg15 : memref<!tpu.dma_semaphore, #tpu.memory_space<semaphore_mem>>)
    %dma_start3A_198 = arith.constant 1 : i32
    %dma_start3A_199 = arith.constant 0 : i32
    %dma_start3A_200 = tpu.memref_slice %arg3[%dma_start3A_198, %add3A_190, %dma_start3A_199] : memref<4x4096x1024xf32, #tpu.memory_space<hbm>> -> memref<1x32x1024xf32, #tpu.memory_space<hbm>>
    %dma_start3A_201 = tpu.memref_squeeze %dma_start3A_200 : memref<1x32x1024xf32, #tpu.memory_space<hbm>> -> memref<32x1024xf32, #tpu.memory_space<hbm>>
    %dma_start3A_202 = arith.constant 0 : i32
    %dma_start3A_203 = tpu.memref_slice %arg3[%dma_start3A_198, %add3A_190, %dma_start3A_202] : memref<4x4096x1024xf32, #tpu.memory_space<hbm>> -> memref<1x32x1024xf32, #tpu.memory_space<hbm>>
    %dma_start3A_204 = tpu.memref_squeeze %dma_start3A_203 : memref<1x32x1024xf32, #tpu.memory_space<hbm>> -> memref<32x1024xf32, #tpu.memory_space<hbm>>
    tpu.enqueue_dma source(%arg6 : memref<32x1024xf32, #tpu.memory_space<vmem>>) target(%dma_start3A_204 : memref<32x1024xf32, #tpu.memory_space<hbm>>) target_semaphore(%arg15 : memref<!tpu.dma_semaphore, #tpu.memory_space<semaphore_mem>>)
    %dma_start3A_205 = arith.constant 2 : i32
    %dma_start3A_206 = arith.constant 0 : i32
    %dma_start3A_207 = tpu.memref_slice %arg3[%dma_start3A_205, %add3A_190, %dma_start3A_206] : memref<4x4096x1024xf32, #tpu.memory_space<hbm>> -> memref<1x32x1024xf32, #tpu.memory_space<hbm>>
    %dma_start3A_208 = tpu.memref_squeeze %dma_start3A_207 : memref<1x32x1024xf32, #tpu.memory_space<hbm>> -> memref<32x1024xf32, #tpu.memory_space<hbm>>
    %dma_start3A_209 = arith.constant 0 : i32
    %dma_start3A_210 = tpu.memref_slice %arg3[%dma_start3A_205, %add3A_190, %dma_start3A_209] : memref<4x4096x1024xf32, #tpu.memory_space<hbm>> -> memref<1x32x1024xf32, #tpu.memory_space<hbm>>
    %dma_start3A_211 = tpu.memref_squeeze %dma_start3A_210 : memref<1x32x1024xf32, #tpu.memory_space<hbm>> -> memref<32x1024xf32, #tpu.memory_space<hbm>>
    tpu.enqueue_dma source(%arg6 : memref<32x1024xf32, #tpu.memory_space<vmem>>) target(%dma_start3A_211 : memref<32x1024xf32, #tpu.memory_space<hbm>>) target_semaphore(%arg15 : memref<!tpu.dma_semaphore, #tpu.memory_space<semaphore_mem>>)
    %dma_start3A_212 = arith.constant 3 : i32
    %dma_start3A_213 = arith.constant 0 : i32
    %dma_start3A_214 = tpu.memref_slice %arg3[%dma_start3A_212, %add3A_190, %dma_start3A_213] : memref<4x4096x1024xf32, #tpu.memory_space<hbm>> -> memref<1x32x1024xf32, #tpu.memory_space<hbm>>
    %dma_start3A_215 = tpu.memref_squeeze %dma_start3A_214 : memref<1x32x1024xf32, #tpu.memory_space<hbm>> -> memref<32x1024xf32, #tpu.memory_space<hbm>>
    %dma_start3A_216 = arith.constant 0 : i32
    %dma_start3A_217 = tpu.memref_slice %arg3[%dma_start3A_212, %add3A_190, %dma_start3A_216] : memref<4x4096x1024xf32, #tpu.memory_space<hbm>> -> memref<1x32x1024xf32, #tpu.memory_space<hbm>>
    %dma_start3A_218 = tpu.memref_squeeze %dma_start3A_217 : memref<1x32x1024xf32, #tpu.memory_space<hbm>> -> memref<32x1024xf32, #tpu.memory_space<hbm>>
    tpu.enqueue_dma source(%arg6 : memref<32x1024xf32, #tpu.memory_space<vmem>>) target(%dma_start3A_218 : memref<32x1024xf32, #tpu.memory_space<hbm>>) target_semaphore(%arg15 : memref<!tpu.dma_semaphore, #tpu.memory_space<semaphore_mem>>)
    %dma_wait3A_219 = arith.constant 0 : i32
    %dma_wait3A_220 = arith.constant 0 : i32
    %dma_wait3A_221 = tpu.memref_slice %arg2[%dma_wait3A_219, %dma_wait3A_220] : memref<4098x1024xf32, #tpu.memory_space<hbm>> -> memref<4098x1024xf32, #tpu.memory_space<hbm>>
    tpu.wait_indirect_dma semaphore(%arg10 : memref<!tpu.dma_semaphore, #tpu.memory_space<semaphore_mem>>) src(%dma_wait3A_221 : memref<4098x1024xf32, #tpu.memory_space<hbm>>) dst(%arg4 : memref<32x1024xf32, #tpu.memory_space<vmem>>)
    %add3A_222 = arith.constant 96 : i32
    %add3A_223 = arith.addi %mul3A_2, %add3A_222 : i32
    %dma_start3A_224 = arith.constant 0 : i32
    %dma_start3A_225 = arith.constant 0 : i32
    %dma_start3A_226 = tpu.memref_slice %arg3[%dma_start3A_224, %add3A_223, %dma_start3A_225] : memref<4x4096x1024xf32, #tpu.memory_space<hbm>> -> memref<1x32x1024xf32, #tpu.memory_space<hbm>>
    %dma_start3A_227 = tpu.memref_squeeze %dma_start3A_226 : memref<1x32x1024xf32, #tpu.memory_space<hbm>> -> memref<32x1024xf32, #tpu.memory_space<hbm>>
    %dma_start3A_228 = arith.constant 0 : i32
    %dma_start3A_229 = tpu.memref_slice %arg3[%dma_start3A_224, %add3A_223, %dma_start3A_228] : memref<4x4096x1024xf32, #tpu.memory_space<hbm>> -> memref<1x32x1024xf32, #tpu.memory_space<hbm>>
    %dma_start3A_230 = tpu.memref_squeeze %dma_start3A_229 : memref<1x32x1024xf32, #tpu.memory_space<hbm>> -> memref<32x1024xf32, #tpu.memory_space<hbm>>
    tpu.enqueue_dma source(%arg4 : memref<32x1024xf32, #tpu.memory_space<vmem>>) target(%dma_start3A_230 : memref<32x1024xf32, #tpu.memory_space<hbm>>) target_semaphore(%arg13 : memref<!tpu.dma_semaphore, #tpu.memory_space<semaphore_mem>>)
    %dma_start3A_231 = arith.constant 1 : i32
    %dma_start3A_232 = arith.constant 0 : i32
    %dma_start3A_233 = tpu.memref_slice %arg3[%dma_start3A_231, %add3A_223, %dma_start3A_232] : memref<4x4096x1024xf32, #tpu.memory_space<hbm>> -> memref<1x32x1024xf32, #tpu.memory_space<hbm>>
    %dma_start3A_234 = tpu.memref_squeeze %dma_start3A_233 : memref<1x32x1024xf32, #tpu.memory_space<hbm>> -> memref<32x1024xf32, #tpu.memory_space<hbm>>
    %dma_start3A_235 = arith.constant 0 : i32
    %dma_start3A_236 = tpu.memref_slice %arg3[%dma_start3A_231, %add3A_223, %dma_start3A_235] : memref<4x4096x1024xf32, #tpu.memory_space<hbm>> -> memref<1x32x1024xf32, #tpu.memory_space<hbm>>
    %dma_start3A_237 = tpu.memref_squeeze %dma_start3A_236 : memref<1x32x1024xf32, #tpu.memory_space<hbm>> -> memref<32x1024xf32, #tpu.memory_space<hbm>>
    tpu.enqueue_dma source(%arg4 : memref<32x1024xf32, #tpu.memory_space<vmem>>) target(%dma_start3A_237 : memref<32x1024xf32, #tpu.memory_space<hbm>>) target_semaphore(%arg13 : memref<!tpu.dma_semaphore, #tpu.memory_space<semaphore_mem>>)
    %dma_start3A_238 = arith.constant 2 : i32
    %dma_start3A_239 = arith.constant 0 : i32
    %dma_start3A_240 = tpu.memref_slice %arg3[%dma_start3A_238, %add3A_223, %dma_start3A_239] : memref<4x4096x1024xf32, #tpu.memory_space<hbm>> -> memref<1x32x1024xf32, #tpu.memory_space<hbm>>
    %dma_start3A_241 = tpu.memref_squeeze %dma_start3A_240 : memref<1x32x1024xf32, #tpu.memory_space<hbm>> -> memref<32x1024xf32, #tpu.memory_space<hbm>>
    %dma_start3A_242 = arith.constant 0 : i32
    %dma_start3A_243 = tpu.memref_slice %arg3[%dma_start3A_238, %add3A_223, %dma_start3A_242] : memref<4x4096x1024xf32, #tpu.memory_space<hbm>> -> memref<1x32x1024xf32, #tpu.memory_space<hbm>>
    %dma_start3A_244 = tpu.memref_squeeze %dma_start3A_243 : memref<1x32x1024xf32, #tpu.memory_space<hbm>> -> memref<32x1024xf32, #tpu.memory_space<hbm>>
    tpu.enqueue_dma source(%arg4 : memref<32x1024xf32, #tpu.memory_space<vmem>>) target(%dma_start3A_244 : memref<32x1024xf32, #tpu.memory_space<hbm>>) target_semaphore(%arg13 : memref<!tpu.dma_semaphore, #tpu.memory_space<semaphore_mem>>)
    %dma_start3A_245 = arith.constant 3 : i32
    %dma_start3A_246 = arith.constant 0 : i32
    %dma_start3A_247 = tpu.memref_slice %arg3[%dma_start3A_245, %add3A_223, %dma_start3A_246] : memref<4x4096x1024xf32, #tpu.memory_space<hbm>> -> memref<1x32x1024xf32, #tpu.memory_space<hbm>>
    %dma_start3A_248 = tpu.memref_squeeze %dma_start3A_247 : memref<1x32x1024xf32, #tpu.memory_space<hbm>> -> memref<32x1024xf32, #tpu.memory_space<hbm>>
    %dma_start3A_249 = arith.constant 0 : i32
    %dma_start3A_250 = tpu.memref_slice %arg3[%dma_start3A_245, %add3A_223, %dma_start3A_249] : memref<4x4096x1024xf32, #tpu.memory_space<hbm>> -> memref<1x32x1024xf32, #tpu.memory_space<hbm>>
    %dma_start3A_251 = tpu.memref_squeeze %dma_start3A_250 : memref<1x32x1024xf32, #tpu.memory_space<hbm>> -> memref<32x1024xf32, #tpu.memory_space<hbm>>
    tpu.enqueue_dma source(%arg4 : memref<32x1024xf32, #tpu.memory_space<vmem>>) target(%dma_start3A_251 : memref<32x1024xf32, #tpu.memory_space<hbm>>) target_semaphore(%arg13 : memref<!tpu.dma_semaphore, #tpu.memory_space<semaphore_mem>>)
    %dma_wait3A_252 = arith.constant 0 : i32
    %dma_wait3A_253 = arith.constant 0 : i32
    %dma_wait3A_254 = tpu.memref_slice %arg3[%dma_wait3A_252, %add3A_223, %dma_wait3A_253] : memref<4x4096x1024xf32, #tpu.memory_space<hbm>> -> memref<1x32x1024xf32, #tpu.memory_space<hbm>>
    %dma_wait3A_255 = tpu.memref_squeeze %dma_wait3A_254 : memref<1x32x1024xf32, #tpu.memory_space<hbm>> -> memref<32x1024xf32, #tpu.memory_space<hbm>>
    %dma_wait3A_256 = arith.constant 0 : i32
    %dma_wait3A_257 = tpu.memref_slice %arg3[%dma_wait3A_252, %add3A_223, %dma_wait3A_256] : memref<4x4096x1024xf32, #tpu.memory_space<hbm>> -> memref<1x32x1024xf32, #tpu.memory_space<hbm>>
    %dma_wait3A_258 = tpu.memref_squeeze %dma_wait3A_257 : memref<1x32x1024xf32, #tpu.memory_space<hbm>> -> memref<32x1024xf32, #tpu.memory_space<hbm>>
    tpu.wait_dma2 semaphore(%arg13 : memref<!tpu.dma_semaphore, #tpu.memory_space<semaphore_mem>>) src(%arg4 : memref<32x1024xf32, #tpu.memory_space<vmem>>) dst(%dma_wait3A_258 : memref<32x1024xf32, #tpu.memory_space<hbm>>)
    %dma_wait3A_259 = arith.constant 1 : i32
    %dma_wait3A_260 = arith.constant 0 : i32
    %dma_wait3A_261 = tpu.memref_slice %arg3[%dma_wait3A_259, %add3A_223, %dma_wait3A_260] : memref<4x4096x1024xf32, #tpu.memory_space<hbm>> -> memref<1x32x1024xf32, #tpu.memory_space<hbm>>
    %dma_wait3A_262 = tpu.memref_squeeze %dma_wait3A_261 : memref<1x32x1024xf32, #tpu.memory_space<hbm>> -> memref<32x1024xf32, #tpu.memory_space<hbm>>
    %dma_wait3A_263 = arith.constant 0 : i32
    %dma_wait3A_264 = tpu.memref_slice %arg3[%dma_wait3A_259, %add3A_223, %dma_wait3A_263] : memref<4x4096x1024xf32, #tpu.memory_space<hbm>> -> memref<1x32x1024xf32, #tpu.memory_space<hbm>>
    %dma_wait3A_265 = tpu.memref_squeeze %dma_wait3A_264 : memref<1x32x1024xf32, #tpu.memory_space<hbm>> -> memref<32x1024xf32, #tpu.memory_space<hbm>>
    tpu.wait_dma2 semaphore(%arg13 : memref<!tpu.dma_semaphore, #tpu.memory_space<semaphore_mem>>) src(%arg4 : memref<32x1024xf32, #tpu.memory_space<vmem>>) dst(%dma_wait3A_265 : memref<32x1024xf32, #tpu.memory_space<hbm>>)
    %dma_wait3A_266 = arith.constant 2 : i32
    %dma_wait3A_267 = arith.constant 0 : i32
    %dma_wait3A_268 = tpu.memref_slice %arg3[%dma_wait3A_266, %add3A_223, %dma_wait3A_267] : memref<4x4096x1024xf32, #tpu.memory_space<hbm>> -> memref<1x32x1024xf32, #tpu.memory_space<hbm>>
    %dma_wait3A_269 = tpu.memref_squeeze %dma_wait3A_268 : memref<1x32x1024xf32, #tpu.memory_space<hbm>> -> memref<32x1024xf32, #tpu.memory_space<hbm>>
    %dma_wait3A_270 = arith.constant 0 : i32
    %dma_wait3A_271 = tpu.memref_slice %arg3[%dma_wait3A_266, %add3A_223, %dma_wait3A_270] : memref<4x4096x1024xf32, #tpu.memory_space<hbm>> -> memref<1x32x1024xf32, #tpu.memory_space<hbm>>
    %dma_wait3A_272 = tpu.memref_squeeze %dma_wait3A_271 : memref<1x32x1024xf32, #tpu.memory_space<hbm>> -> memref<32x1024xf32, #tpu.memory_space<hbm>>
    tpu.wait_dma2 semaphore(%arg13 : memref<!tpu.dma_semaphore, #tpu.memory_space<semaphore_mem>>) src(%arg4 : memref<32x1024xf32, #tpu.memory_space<vmem>>) dst(%dma_wait3A_272 : memref<32x1024xf32, #tpu.memory_space<hbm>>)
    %dma_wait3A_273 = arith.constant 3 : i32
    %dma_wait3A_274 = arith.constant 0 : i32
    %dma_wait3A_275 = tpu.memref_slice %arg3[%dma_wait3A_273, %add3A_223, %dma_wait3A_274] : memref<4x4096x1024xf32, #tpu.memory_space<hbm>> -> memref<1x32x1024xf32, #tpu.memory_space<hbm>>
    %dma_wait3A_276 = tpu.memref_squeeze %dma_wait3A_275 : memref<1x32x1024xf32, #tpu.memory_space<hbm>> -> memref<32x1024xf32, #tpu.memory_space<hbm>>
    %dma_wait3A_277 = arith.constant 0 : i32
    %dma_wait3A_278 = tpu.memref_slice %arg3[%dma_wait3A_273, %add3A_223, %dma_wait3A_277] : memref<4x4096x1024xf32, #tpu.memory_space<hbm>> -> memref<1x32x1024xf32, #tpu.memory_space<hbm>>
    %dma_wait3A_279 = tpu.memref_squeeze %dma_wait3A_278 : memref<1x32x1024xf32, #tpu.memory_space<hbm>> -> memref<32x1024xf32, #tpu.memory_space<hbm>>
    tpu.wait_dma2 semaphore(%arg13 : memref<!tpu.dma_semaphore, #tpu.memory_space<semaphore_mem>>) src(%arg4 : memref<32x1024xf32, #tpu.memory_space<vmem>>) dst(%dma_wait3A_279 : memref<32x1024xf32, #tpu.memory_space<hbm>>)
    %dma_wait3A_280 = arith.constant 0 : i32
    %dma_wait3A_281 = arith.constant 0 : i32
    %dma_wait3A_282 = tpu.memref_slice %arg3[%dma_wait3A_280, %add3A_157, %dma_wait3A_281] : memref<4x4096x1024xf32, #tpu.memory_space<hbm>> -> memref<1x32x1024xf32, #tpu.memory_space<hbm>>
    %dma_wait3A_283 = tpu.memref_squeeze %dma_wait3A_282 : memref<1x32x1024xf32, #tpu.memory_space<hbm>> -> memref<32x1024xf32, #tpu.memory_space<hbm>>
    %dma_wait3A_284 = arith.constant 0 : i32
    %dma_wait3A_285 = tpu.memref_slice %arg3[%dma_wait3A_280, %add3A_157, %dma_wait3A_284] : memref<4x4096x1024xf32, #tpu.memory_space<hbm>> -> memref<1x32x1024xf32, #tpu.memory_space<hbm>>
    %dma_wait3A_286 = tpu.memref_squeeze %dma_wait3A_285 : memref<1x32x1024xf32, #tpu.memory_space<hbm>> -> memref<32x1024xf32, #tpu.memory_space<hbm>>
    tpu.wait_dma2 semaphore(%arg14 : memref<!tpu.dma_semaphore, #tpu.memory_space<semaphore_mem>>) src(%arg5 : memref<32x1024xf32, #tpu.memory_space<vmem>>) dst(%dma_wait3A_286 : memref<32x1024xf32, #tpu.memory_space<hbm>>)
    %dma_wait3A_287 = arith.constant 1 : i32
    %dma_wait3A_288 = arith.constant 0 : i32
    %dma_wait3A_289 = tpu.memref_slice %arg3[%dma_wait3A_287, %add3A_157, %dma_wait3A_288] : memref<4x4096x1024xf32, #tpu.memory_space<hbm>> -> memref<1x32x1024xf32, #tpu.memory_space<hbm>>
    %dma_wait3A_290 = tpu.memref_squeeze %dma_wait3A_289 : memref<1x32x1024xf32, #tpu.memory_space<hbm>> -> memref<32x1024xf32, #tpu.memory_space<hbm>>
    %dma_wait3A_291 = arith.constant 0 : i32
    %dma_wait3A_292 = tpu.memref_slice %arg3[%dma_wait3A_287, %add3A_157, %dma_wait3A_291] : memref<4x4096x1024xf32, #tpu.memory_space<hbm>> -> memref<1x32x1024xf32, #tpu.memory_space<hbm>>
    %dma_wait3A_293 = tpu.memref_squeeze %dma_wait3A_292 : memref<1x32x1024xf32, #tpu.memory_space<hbm>> -> memref<32x1024xf32, #tpu.memory_space<hbm>>
    tpu.wait_dma2 semaphore(%arg14 : memref<!tpu.dma_semaphore, #tpu.memory_space<semaphore_mem>>) src(%arg5 : memref<32x1024xf32, #tpu.memory_space<vmem>>) dst(%dma_wait3A_293 : memref<32x1024xf32, #tpu.memory_space<hbm>>)
    %dma_wait3A_294 = arith.constant 2 : i32
    %dma_wait3A_295 = arith.constant 0 : i32
    %dma_wait3A_296 = tpu.memref_slice %arg3[%dma_wait3A_294, %add3A_157, %dma_wait3A_295] : memref<4x4096x1024xf32, #tpu.memory_space<hbm>> -> memref<1x32x1024xf32, #tpu.memory_space<hbm>>
    %dma_wait3A_297 = tpu.memref_squeeze %dma_wait3A_296 : memref<1x32x1024xf32, #tpu.memory_space<hbm>> -> memref<32x1024xf32, #tpu.memory_space<hbm>>
    %dma_wait3A_298 = arith.constant 0 : i32
    %dma_wait3A_299 = tpu.memref_slice %arg3[%dma_wait3A_294, %add3A_157, %dma_wait3A_298] : memref<4x4096x1024xf32, #tpu.memory_space<hbm>> -> memref<1x32x1024xf32, #tpu.memory_space<hbm>>
    %dma_wait3A_300 = tpu.memref_squeeze %dma_wait3A_299 : memref<1x32x1024xf32, #tpu.memory_space<hbm>> -> memref<32x1024xf32, #tpu.memory_space<hbm>>
    tpu.wait_dma2 semaphore(%arg14 : memref<!tpu.dma_semaphore, #tpu.memory_space<semaphore_mem>>) src(%arg5 : memref<32x1024xf32, #tpu.memory_space<vmem>>) dst(%dma_wait3A_300 : memref<32x1024xf32, #tpu.memory_space<hbm>>)
    %dma_wait3A_301 = arith.constant 3 : i32
    %dma_wait3A_302 = arith.constant 0 : i32
    %dma_wait3A_303 = tpu.memref_slice %arg3[%dma_wait3A_301, %add3A_157, %dma_wait3A_302] : memref<4x4096x1024xf32, #tpu.memory_space<hbm>> -> memref<1x32x1024xf32, #tpu.memory_space<hbm>>
    %dma_wait3A_304 = tpu.memref_squeeze %dma_wait3A_303 : memref<1x32x1024xf32, #tpu.memory_space<hbm>> -> memref<32x1024xf32, #tpu.memory_space<hbm>>
    %dma_wait3A_305 = arith.constant 0 : i32
    %dma_wait3A_306 = tpu.memref_slice %arg3[%dma_wait3A_301, %add3A_157, %dma_wait3A_305] : memref<4x4096x1024xf32, #tpu.memory_space<hbm>> -> memref<1x32x1024xf32, #tpu.memory_space<hbm>>
    %dma_wait3A_307 = tpu.memref_squeeze %dma_wait3A_306 : memref<1x32x1024xf32, #tpu.memory_space<hbm>> -> memref<32x1024xf32, #tpu.memory_space<hbm>>
    tpu.wait_dma2 semaphore(%arg14 : memref<!tpu.dma_semaphore, #tpu.memory_space<semaphore_mem>>) src(%arg5 : memref<32x1024xf32, #tpu.memory_space<vmem>>) dst(%dma_wait3A_307 : memref<32x1024xf32, #tpu.memory_space<hbm>>)
    %dma_wait3A_308 = arith.constant 0 : i32
    %dma_wait3A_309 = arith.constant 0 : i32
    %dma_wait3A_310 = tpu.memref_slice %arg3[%dma_wait3A_308, %add3A_190, %dma_wait3A_309] : memref<4x4096x1024xf32, #tpu.memory_space<hbm>> -> memref<1x32x1024xf32, #tpu.memory_space<hbm>>
    %dma_wait3A_311 = tpu.memref_squeeze %dma_wait3A_310 : memref<1x32x1024xf32, #tpu.memory_space<hbm>> -> memref<32x1024xf32, #tpu.memory_space<hbm>>
    %dma_wait3A_312 = arith.constant 0 : i32
    %dma_wait3A_313 = tpu.memref_slice %arg3[%dma_wait3A_308, %add3A_190, %dma_wait3A_312] : memref<4x4096x1024xf32, #tpu.memory_space<hbm>> -> memref<1x32x1024xf32, #tpu.memory_space<hbm>>
    %dma_wait3A_314 = tpu.memref_squeeze %dma_wait3A_313 : memref<1x32x1024xf32, #tpu.memory_space<hbm>> -> memref<32x1024xf32, #tpu.memory_space<hbm>>
    tpu.wait_dma2 semaphore(%arg15 : memref<!tpu.dma_semaphore, #tpu.memory_space<semaphore_mem>>) src(%arg6 : memref<32x1024xf32, #tpu.memory_space<vmem>>) dst(%dma_wait3A_314 : memref<32x1024xf32, #tpu.memory_space<hbm>>)
    %dma_wait3A_315 = arith.constant 1 : i32
    %dma_wait3A_316 = arith.constant 0 : i32
    %dma_wait3A_317 = tpu.memref_slice %arg3[%dma_wait3A_315, %add3A_190, %dma_wait3A_316] : memref<4x4096x1024xf32, #tpu.memory_space<hbm>> -> memref<1x32x1024xf32, #tpu.memory_space<hbm>>
    %dma_wait3A_318 = tpu.memref_squeeze %dma_wait3A_317 : memref<1x32x1024xf32, #tpu.memory_space<hbm>> -> memref<32x1024xf32, #tpu.memory_space<hbm>>
    %dma_wait3A_319 = arith.constant 0 : i32
    %dma_wait3A_320 = tpu.memref_slice %arg3[%dma_wait3A_315, %add3A_190, %dma_wait3A_319] : memref<4x4096x1024xf32, #tpu.memory_space<hbm>> -> memref<1x32x1024xf32, #tpu.memory_space<hbm>>
    %dma_wait3A_321 = tpu.memref_squeeze %dma_wait3A_320 : memref<1x32x1024xf32, #tpu.memory_space<hbm>> -> memref<32x1024xf32, #tpu.memory_space<hbm>>
    tpu.wait_dma2 semaphore(%arg15 : memref<!tpu.dma_semaphore, #tpu.memory_space<semaphore_mem>>) src(%arg6 : memref<32x1024xf32, #tpu.memory_space<vmem>>) dst(%dma_wait3A_321 : memref<32x1024xf32, #tpu.memory_space<hbm>>)
    %dma_wait3A_322 = arith.constant 2 : i32
    %dma_wait3A_323 = arith.constant 0 : i32
    %dma_wait3A_324 = tpu.memref_slice %arg3[%dma_wait3A_322, %add3A_190, %dma_wait3A_323] : memref<4x4096x1024xf32, #tpu.memory_space<hbm>> -> memref<1x32x1024xf32, #tpu.memory_space<hbm>>
    %dma_wait3A_325 = tpu.memref_squeeze %dma_wait3A_324 : memref<1x32x1024xf32, #tpu.memory_space<hbm>> -> memref<32x1024xf32, #tpu.memory_space<hbm>>
    %dma_wait3A_326 = arith.constant 0 : i32
    %dma_wait3A_327 = tpu.memref_slice %arg3[%dma_wait3A_322, %add3A_190, %dma_wait3A_326] : memref<4x4096x1024xf32, #tpu.memory_space<hbm>> -> memref<1x32x1024xf32, #tpu.memory_space<hbm>>
    %dma_wait3A_328 = tpu.memref_squeeze %dma_wait3A_327 : memref<1x32x1024xf32, #tpu.memory_space<hbm>> -> memref<32x1024xf32, #tpu.memory_space<hbm>>
    tpu.wait_dma2 semaphore(%arg15 : memref<!tpu.dma_semaphore, #tpu.memory_space<semaphore_mem>>) src(%arg6 : memref<32x1024xf32, #tpu.memory_space<vmem>>) dst(%dma_wait3A_328 : memref<32x1024xf32, #tpu.memory_space<hbm>>)
    %dma_wait3A_329 = arith.constant 3 : i32
    %dma_wait3A_330 = arith.constant 0 : i32
    %dma_wait3A_331 = tpu.memref_slice %arg3[%dma_wait3A_329, %add3A_190, %dma_wait3A_330] : memref<4x4096x1024xf32, #tpu.memory_space<hbm>> -> memref<1x32x1024xf32, #tpu.memory_space<hbm>>
    %dma_wait3A_332 = tpu.memref_squeeze %dma_wait3A_331 : memref<1x32x1024xf32, #tpu.memory_space<hbm>> -> memref<32x1024xf32, #tpu.memory_space<hbm>>
    %dma_wait3A_333 = arith.constant 0 : i32
    %dma_wait3A_334 = tpu.memref_slice %arg3[%dma_wait3A_329, %add3A_190, %dma_wait3A_333] : memref<4x4096x1024xf32, #tpu.memory_space<hbm>> -> memref<1x32x1024xf32, #tpu.memory_space<hbm>>
    %dma_wait3A_335 = tpu.memref_squeeze %dma_wait3A_334 : memref<1x32x1024xf32, #tpu.memory_space<hbm>> -> memref<32x1024xf32, #tpu.memory_space<hbm>>
    tpu.wait_dma2 semaphore(%arg15 : memref<!tpu.dma_semaphore, #tpu.memory_space<semaphore_mem>>) src(%arg6 : memref<32x1024xf32, #tpu.memory_space<vmem>>) dst(%dma_wait3A_335 : memref<32x1024xf32, #tpu.memory_space<hbm>>)
    return
  }
}

</mosaic_0001>

<sc_bundles>
// kernel: kernel.3.cloned.1.call-start
scs
__scs_entry_jumppad:
0x0: {  	(pc) =	sbr.rel $0x88, $3  }
0x1: {  	(tag) =	ssettag $0x0;
	lr =	simm.s32 $0x1  }
0x2: {  	[smem:$0x3FA0] =	sst lr;
	_ =	strace $0xD0000000  }
0x3: {  	_ = 	snop  }
0x4: {  	_ = 	snop  }
0x5: {  	_ = 	snop  }
0x6: {  	_ = 	snop  }
0x7: {  	_ = 	snop  }
__scs_overlays_trampoline_lowered:
0x8: {  	[smem:$0x3FAF] =	sst s0  }
0x9: {  	[smem:$0x3FB0] =	sst s1  }
0xa: {  	[smem:$0x3FB1] =	sst s2  }
0xb: {  	[smem:$0x3FB2] =	sst s3  }
0xc: {  	[smem:$0x3FB3] =	sst s4  }
0xd: {  	[smem:$0x3FB4] =	sst s5  }
0xe: {  	[smem:$0x3FB5] =	sst s6  }
0xf: {  	[smem:$0x3FB6] =	sst s7  }
0x10: {  	[smem:$0x3FB7] =	sst s8  }
0x11: {  	[smem:$0x3FB8] =	sst s9;
	s0 =	simm.s32 @!p0 $0x0  }
0x12: {  	s1 =	sld [smem:$0x3F9E];
	s0 =	simm.s32 @p0 $0x1  }
0x13: {  	[smem:$0x3FB9] =	sst s0;
	s0 =	simm.s32 @!p1 $0x0  }
0x14: {  	s2 =	sld [smem:$0x3F9D];
	s0 =	simm.s32 @p1 $0x1  }
0x15: {  	[smem:$0x3FBA] =	sst s0;
	s0 =	simm.s32 @!p2 $0x0  }
0x16: {  	s3 =	sld [smem:$0x3FDB];
	s0 =	simm.s32 @p2 $0x1  }
0x17: {  	s4 =	simm.s32 $0x1BF5;
	[smem:$0x3FBC] =	sst s0  }
0x18: {  	s0 =	sld [smem:$0x3F9F];
	_ =	swait.ge [sflag:s4], $0x0  }
0x19: {  	s7 =	sld [smem:$0x3FA0]  }
0x1a: {  	s8 =	sadd.s32 $0xFFFFE003, lr  }
0x1b: {  	s9 =	sadd.s32 $0xFFFFFEF7, lr;
	s5 =	simm.s32 $0xFFFFFFFF;
	p2 =	slt.u32 s8, $0xFFFFF086  }
0x1c: {  	p1 =	slt.u32 s9, $0xF7A;
	s5 =	simm.s32 @!p2 $0x0  }
0x1d: {  	s5 =	simm.s32 @p1 $0x1;
	p0 =	seq.s32 s7, s2  }
0x1e: {  	s7 =	smul.u32 @!p0 $0xF7A, s2;
	p2 =	seq.s32 @!p0 s5, $0x0  }
0x1f: {  	s9 =	smul.u32 $0xF7A, s1;
	s8 =	simm.s32 @!p0 $0x1BF5;
	p2 =	por !p2, p0  }
0x20: {  	[sflag:s8] =	ssyncset.s32 @!p0 $0xFFFFF086;
	s6 =	sadd.s32 @!p0 s3, s7;
	s7 =	simm.s32 @!p0 $0x108  }
0x21: {  	s3 =	sadd.s32 s3, s9;
	s6 =	sadd.s32 @!p0 $0x88, s6;
	s7 =	simm.s32 @p2 $0x1082  }
0x22: {  	[simem:s7], [sflag:s8] =	dma.local @!p0 [hbm:s6], $0xF7A  }
0x23: {  	s9 =	sor.u32 $0xD0000000, s2;
	s6 =	simm.s32 $0x108;
	_ =	swait.ge @!p0 [sflag:s8], $0x0  }
0x24: {  	s3 =	sadd.s32 $0x88, s3;
	s6 =	simm.s32 @!p1 $0x1082;
	[sflag:s4] =	ssyncset.s32 $0xFFFFF086  }
0x25: {  	[simem:s6], [sflag:s4] =	dma.local [hbm:s3], $0xF7A  }
0x26: {  	[smem:$0x3FA0] =	sst s1;
	(tag) =	ssettag s2;
	_ =	strace s9  }
0x27: {  	s1 =	sld [smem:$0x3FB0]  }
0x28: {  	s2 =	sld [smem:$0x3FB1]  }
0x29: {  	s4 =	sld [smem:$0x3FB3]  }
0x2a: {  	p0 =	seq.s32 s5, $0x0;
	s5 =	sld [smem:$0x3FB4]  }
0x2b: {  	s6 =	sld [smem:$0x3FB5]  }
0x2c: {  	s7 =	sld [smem:$0x3FB6]  }
0x2d: {  	s3 =	simm.s32 $0x108;
	s8 =	sld [smem:$0x3FB7]  }
0x2e: {  	s3 =	simm.s32 @!p0 $0x1082;
	s9 =	sld [smem:$0x3FB8]  }
0x2f: {  	lr =	sadd.s32 s0, s3;
	s0 =	sld [smem:$0x3FAF]  }
0x30: {  	s3 =	sld [smem:$0x3FB2]  }
0x31: {  	[smem:$0x3FBB] =	sst s10  }
0x32: {  	s10 =	sld [smem:$0x3FB9];
	_ =	sdelay $0x3  }
0x33: {  	p0 =	seq.s32 s10, $0x1;
	s10 =	sld [smem:$0x3FBB];
	_ =	sdelay $0x3  }
0x34: {  	[smem:$0x3FBB] =	sst s10  }
0x35: {  	s10 =	sld [smem:$0x3FBA];
	_ =	sdelay $0x3  }
0x36: {  	p1 =	seq.s32 s10, $0x1;
	s10 =	sld [smem:$0x3FBB];
	_ =	sdelay $0x3  }
0x37: {  	[smem:$0x3FBB] =	sst s10  }
0x38: {  	s10 =	sld [smem:$0x3FBC]  }
0x39: {  	_ = 	snop;
	(pc) =	sbr.ind lr, $3  }
0x3a: {  	_ = 	snop  }
0x3b: {  	_ = 	snop  }
0x3c: {  	p2 =	seq.s32 s10, $0x1;
	s10 =	sld [smem:$0x3FBB]  }
0x3d: {  	_ =	shalt  }
0x3e: {  	_ =	shalt  }
0x3f: {  	_ =	shalt  }
0x40: {  	_ =	shalt  }
0x41: {  	_ =	shalt  }
0x42: {  	_ =	shalt  }
0x43: {  	_ =	shalt  }
0x44: {  	_ =	shalt  }
0x45: {  	_ =	shalt  }
0x46: {  	_ =	shalt  }
0x47: {  	_ =	shalt  }
0x48: {  	_ =	shalt  }
0x49: {  	_ =	shalt  }
0x4a: {  	_ =	shalt  }
0x4b: {  	_ =	shalt  }
0x4c: {  	_ =	shalt  }
0x4d: {  	_ =	shalt  }
0x4e: {  	_ =	shalt  }
0x4f: {  	_ =	shalt  }
0x50: {  	_ =	shalt  }
0x51: {  	_ =	shalt  }
0x52: {  	_ =	shalt  }
0x53: {  	_ =	shalt  }
0x54: {  	_ =	shalt  }
0x55: {  	_ =	shalt  }
0x56: {  	_ =	shalt  }
0x57: {  	_ =	shalt  }
0x58: {  	_ =	shalt  }
0x59: {  	_ =	shalt  }
0x5a: {  	_ =	shalt  }
0x5b: {  	_ =	shalt  }
0x5c: {  	_ =	shalt  }
0x5d: {  	_ =	shalt  }
0x5e: {  	_ =	shalt  }
0x5f: {  	_ =	shalt  }
0x60: {  	_ =	shalt  }
0x61: {  	_ =	shalt  }
0x62: {  	_ =	shalt  }
0x63: {  	_ =	shalt  }
0x64: {  	_ =	shalt  }
0x65: {  	_ =	shalt  }
0x66: {  	_ =	shalt  }
0x67: {  	_ =	shalt  }
0x68: {  	_ =	shalt  }
0x69: {  	_ =	shalt  }
0x6a: {  	_ =	shalt  }
0x6b: {  	_ =	shalt  }
0x6c: {  	_ =	shalt  }
0x6d: {  	_ =	shalt  }
0x6e: {  	_ =	shalt  }
0x6f: {  	_ =	shalt  }
0x70: {  	_ =	shalt  }
0x71: {  	_ =	shalt  }
0x72: {  	_ =	shalt  }
0x73: {  	_ =	shalt  }
0x74: {  	_ =	shalt  }
0x75: {  	_ =	shalt  }
0x76: {  	_ =	shalt  }
0x77: {  	_ =	shalt  }
0x78: {  	_ =	shalt  }
0x79: {  	_ =	shalt  }
0x7a: {  	_ =	shalt  }
0x7b: {  	_ =	shalt  }
0x7c: {  	_ =	shalt  }
0x7d: {  	_ =	shalt  }
0x7e: {  	_ =	shalt  }
0x7f: {  	_ =	shalt  }
0x80: {  	_ =	shalt  }
0x81: {  	_ =	shalt  }
0x82: {  	_ =	shalt  }
0x83: {  	_ =	shalt  }
0x84: {  	_ =	shalt  }
0x85: {  	_ =	shalt  }
0x86: {  	_ =	shalt  }
0x87: {  	_ =	shalt  }
.Lfunc_end0:
.L_simem_size_0:
called_computation_lowered:
.L_overlay_start_0:
0x88: {  	s2 =	sld [smem:$0x3FD9]  }
0x89: {  	s3 =	sld [smem:$0x3FFE];
	_ =	sdelay $0x1  }
0x8a: {  	s1 =	srdreg.scid  }
0x8b: {  	s0 =	sand.u32 $0x1, s1  }
0x8c: {  	s18 =	sshll.u32 s0, $0xA;
	s2 =	sadd.s32 s3, s2  }
0x8d: {  	s2 =	sadd.s32 s2, s18  }
0x8e: {  	[smem:$0x3FC7] =	sst s2  }
0x8f: {  	_ = 	snop  }
0x90: {  	s2 =	sld [smem:$0x3FC9]  }
0x91: {  	s19 =	sld [smem:$0x3FD0];
	(tm) =	ssettm $0x1  }
0x92: {  	s4 =	sld [smem:$0x3FFB];
	_ =	sdelay $0x3  }
0x93: {  	_ =	strace s4  }
0x94: {  	s4 =	sld [smem:$0x3FFC];
	_ =	sdelay $0x3  }
0x95: {  	_ =	strace s4  }
0x96: {  	s4 =	sld [smem:$0x3FFD];
	_ =	sdelay $0x3  }
0x97: {  	_ =	strace s4  }
0x98: {  	_ =	strace $0x8FFFFFFF  }
0x99: {  	s20 =	sld [smem:$0x3FDB];
	_ =	sdelay $0x1  }
0x9a: {  	s5 =	simm.s32 $_scs_section_size  }
0x9b: {  	s6 =	simm.s32 $_size__tile_overlayer_lowered;
	s7 =	simm.s32 $_tile_overlayer_lowered  }
0x9c: {  	s23 =	simm.s32 $0x1BFF;
	s22 =	sshll.u32 s7, $0x1;
	s4 =	sadd.s32 s5, s20  }
0x9d: {  	s8 =	simm.s32 $0x0;
	s21 =	sshll.u32 s6, $0x1;
	s6 =	sadd.s32 s22, s4  }
0x9e: {  	[timem:s8], [sflag:s23] =	dma.local [hbm:s6], s21  }
0x9f: {  	_ =	swait.ge [sflag:s23], s21  }
0xa0: {  	s5 =	ssub.s32 $0x0, s21;
	[sflag:s23] =	ssyncset.done $0x0  }
0xa1: {  	[sflag:s23] =	ssyncadd.s32 s5;
	_ =	sdelay $0x1  }
0xa2: {  	s24 =	simm.s32 $0x1B8B  }
0xa3: {  	_ =	swait.ge [sflag:s24], $0x1  }
0xa4: {  	[sflag:s24] =	ssyncset.done $0x0  }
0xa5: {  	s25 =	simm.s32 $0x1B8E;
	[sflag:s24] =	ssyncadd.s32 $0xFFFFFFFF  }
0xa6: {  	s26 =	simm.s32 $execute0_lowered;
	[smem:$0x3FD2] =	sst s25  }
0xa7: {  	s5 =	sshll.u32 s26, $0x1;
	_ =	strace $0x80000046;
	[dreg:$0x1] =	wrdreg $0xFFFFFFFF  }
0xa8: {  	s28 =	simm.s32 $_size_execute0_lowered;
	s4 =	sadd.s32 s4, s5;
	[dreg:$0x0] =	wrdreg $0x0  }
0xa9: {  	s5 =	sshll.u32 s28, $0x1;
	[dreg:$0x2] =	wrdreg s4  }
0xaa: {  	[dreg:$0x3] =	wrdreg s5  }
0xab: {  	[dreg:$0x4] =	wrdreg $0xC0  }
0xac: {  	_ =	task [dreg:s8], $0x5FFFF  }
0xad: {  	[dreg:$0x1] =	wrdreg $0xFFFFFFFF  }
0xae: {  	[dreg:$0x0] =	wrdreg $0x60  }
0xaf: {  	[dreg:$0x2] =	wrdreg s2  }
0xb0: {  	[dreg:$0x3] =	wrdreg s19  }
0xb1: {  	[dreg:$0x4] =	wrdreg $0x9  }
0xb2: {  	_ =	task.clear_ibuf [dreg:s8], $0x5FFFF;
	_ =	strace $0x90000046  }
0xb3: {  	s29 =	simm.s32 $0x9;
	_ =	strace $0x80000048  }
0xb4: {  	_ =	swait.ge [sflag:s29], $0x1  }
0xb5: {  	[sflag:s29] =	ssyncadd.s32 $0xFFFFFFFF  }
0xb6: {  	_ =	strace $0x90000048  }
0xb7: {  	_ =	sfence  }
0xb8: {  	s30 =	sld [smem:$0x0];
	_ =	sdelay $0x2  }
0xb9: {  	s31 =	sshll.u32 s1, $0xD;
	s1 =	sshrl.u32 s1, $0x2  }
0xba: {  	s3 =	sand.u32 $0x4000, s31;
	s1 =	sadd.s32 s1, s30  }
0xbb: {  	s0 =	sor.u32 s3, s0;
	s1 =	sshll.u32 s1, $0x11  }
0xbc: {  	s0 =	sor.u32 s1, s0  }
0xbd: {  	s0 =	sadd.s32 $0x8F2B, s0  }
0xbe: {  	[sflag:s0] =	ssyncadd.remote.s32 $0x1  }
0xbf: {  	_ =	sfence.sel $0xFFFF  }
0xc0: {  	[dreg:$0x0] =	wrdreg $0xFFFFFFFF;
	(pc) =	sbr.abs _section_cstart, $3  }
0xc1: {  	[dreg:$0x1] =	wrdreg $0xFFFFFFFF  }
0xc2: {  	_ =	task.clear_ibuf [dreg:s8], $0x2FFFF;
	_ =	strace $0x9FFFFFFF  }
0xc3: {  	(tm) =	ssettm $0x7FFFFFFF  }
tec
execute0_lowered:
.L_overlay_start_1:
0x0: {  	(tag) =	ssettag $0x1  }
0x1: {  	s1 =	srdreg.scid  }
0x2: {  	s0 =	stileid.u32;
	s5 =	sand.u32 $0x1, s1  }
0x3: {  	s2 =	rddreg [dreg:$0x0];
	s23 =	sshll.u32 s0, $0x8;
	s3 =	sshll.u32 s5, $0x7  }
0x4: {  	s4 =	rddreg [dreg:$0x1];
	s1 =	sor.u32 s3, s23;
	s3 =	simm.s32 $0x0  }
0x5: {  	s18 =	simm.s32 $0x8800;
	[smem:$0x7FF] =	sst s3  }
0x6: {  	s19 =	simm.s32 $0x9000;
	_ =	strace $0x80000047;
	[dreg:$0x12] =	wrdreg s18  }
0x7: {  	s20 =	simm.s32 $0x9800;
	[dreg:$0x13] =	wrdreg s19  }
0x8: {  	s21 =	simm.s32 $0xA000;
	[dreg:$0x14] =	wrdreg s20  }
0x9: {  	s22 =	simm.s32 $0xA800;
	[dreg:$0x15] =	wrdreg s21  }
0xa: {  	s23 =	simm.s32 $0xB000;
	[dreg:$0x16] =	wrdreg s22  }
0xb: {  	s0 =	simm.s32 $0xD800;
	s6 =	sshll.u32 s1, $0x7;
	[dreg:$0x17] =	wrdreg s23  }
0xc: {  	s24 =	sadd.s32 s4, s6;
	[dreg:$0x1c] =	wrdreg s0  }
0xd: {  	s19 =	simm.s32 $0x12800;
	[smem:$0x7ED] =	sst s24  }
0xe: {  	s22 =	simm.s32 $0x15000;
	[smem:$0x7F3] =	sst s19  }
0xf: {  	s23 =	simm.s32 $0x16000;
	[smem:$0x7F8] =	sst s22  }
0x10: {  	s6 =	sadd.s32 $0x80000, s24;
	[smem:$0x7FA] =	sst s23  }
0x11: {  	s25 =	sadd.s32 $0x100000, s24;
	[dreg:$0x3] =	wrdreg s6  }
0x12: {  	s26 =	sadd.s32 $0x180000, s24;
	[dreg:$0x4] =	wrdreg s25  }
0x13: {  	s4 =	sadd.s32 $0x1000, s24;
	[dreg:$0x5] =	wrdreg s26  }
0x14: {  	s7 =	sadd.s32 $0x81000, s24;
	[dreg:$0x6] =	wrdreg s4  }
0x15: {  	s8 =	sadd.s32 $0x101000, s24;
	[dreg:$0x7] =	wrdreg s7  }
0x16: {  	s9 =	sadd.s32 $0x181000, s24;
	[dreg:$0x8] =	wrdreg s8  }
0x17: {  	s10 =	sadd.s32 $0x2000, s24;
	[dreg:$0x9] =	wrdreg s9  }
0x18: {  	s28 =	simm.s32 $0x4;
	s11 =	sadd.s32 $0x82000, s24;
	[dreg:$0xa] =	wrdreg s10  }
0x19: {  	s29 =	simm.s32 $0x2;
	s12 =	sadd.s32 $0x102000, s24;
	[dreg:$0xb] =	wrdreg s11  }
0x1a: {  	s30 =	simm.s32 $0x3;
	s13 =	sadd.s32 $0x182000, s24;
	[dreg:$0xc] =	wrdreg s12  }
0x1b: {  	s31 =	simm.s32 $0x5;
	s14 =	sadd.s32 $0x3000, s24;
	[dreg:$0xd] =	wrdreg s13  }
0x1c: {  	s5 =	ssub.s32 $0x2, s5;
	s15 =	sadd.s32 $0x83000, s24;
	[dreg:$0xe] =	wrdreg s14  }
0x1d: {  	s18 =	sor.u32 $0x42, s1;
	s16 =	sadd.s32 $0x103000, s24;
	[dreg:$0xf] =	wrdreg s15  }
0x1e: {  	s20 =	sor.u32 $0x52, s1;
	s17 =	sadd.s32 $0x183000, s24;
	[dreg:$0x10] =	wrdreg s16  }
0x1f: {  	v12 =	vlaneseq.u32;
	s21 =	sor.u32 $0x62, s1;
	s24 =	simm.s32 $0xC000;
	[dreg:$0x11] =	wrdreg s17  }
0x20: {  	v9 =	vadd.s32 s18, v12;
	s18 =	simm.s32 $0x14800;
	s19 =	simm.s32 $0x15800;
	[dreg:$0x19] =	wrdreg s24  }
0x21: {  	s22 =	simm.s32 $0x7000;
	s23 =	simm.s32 $0x7800;
	[smem:$0x7F7] =	sst s18  }
0x22: {  	s7 =	sshrl.u32 s5, $0x1;
	s10 =	simm.s32 $0xB800;
	[smem:$0x7F9] =	sst s19  }
0x23: {  	s9 =	sor.u32 $0x2, s1;
	s25 =	simm.s32 $0xC800;
	[dreg:$0x18] =	wrdreg s10  }
0x24: {  	s15 =	sor.u32 $0x12, s1;
	s26 =	simm.s32 $0xD000;
	[dreg:$0x1a] =	wrdreg s25  }
0x25: {  	s6 =	sadd.s32 $0x200, s2;
	s4 =	simm.s32 $0xE000;
	[dreg:$0x1b] =	wrdreg s26  }
0x26: {  	s16 =	sor.u32 $0x22, s1;
	s11 =	simm.s32 $0xE800;
	[dreg:$0x1d] =	wrdreg s4  }
0x27: {  	s17 =	sor.u32 $0x32, s1;
	s12 =	simm.s32 $0xF000;
	[dreg:$0x1e] =	wrdreg s11  }
0x28: {  	vm0 =	vmmov $0xffff;
	v3 =	vshrl.u32 v12, $0x3;
	s1 =	sor.u32 $0x72, s1;
	s13 =	simm.s32 $0xF800;
	[dreg:$0x1f] =	wrdreg s12  }
0x29: {  	v3 =	vmul.u32 $0x8, v3;
	s14 =	simm.s32 $0x12000;
	v13 =	vshll.u32 v9, $0x3;
	s24 =	simm.s32 $0x16800;
	v0 =	vadd.s32 s9, v12;
	[smem:$0x7EE] =	sst s13  }
0x2a: {  	s18 =	simm.s32 $0x4800;
	s19 =	simm.s32 $0x5000;
	[smem:$0x7F2] =	sst s14;
	v7 =	vadd.s32 s16, v12;
	v8 =	vadd.s32 s17, v12;
	v13 =	vand.u32 $0x7FFFFFC0, v13  }
0x2b: {  	s8 =	ssub.s32 s5, s7;
	s11 =	simm.s32 $0x10800;
	[smem:$0x7FB] =	sst s24;
	v1 =	vshll.u32 v0, $0x3;
	v2 =	vand.u32 $0x7, v0;
	v10 =	vshll.u32 v7, $0x3  }
0x2c: {  	s5 =	sadd.s32 $0x100, s2;
	s12 =	simm.s32 $0x11000;
	[smem:$0x7EF] =	sst s11;
	v11 =	vand.u32 $0x7, v7;
	v1 =	vand.u32 $0x7FFFFFC0, v1;
	v10 =	vand.u32 $0x7FFFFFC0, v10  }
0x2d: {  	s7 =	sadd.s32 $0x300, s2;
	s13 =	simm.s32 $0x11800;
	[smem:$0x7F0] =	sst s12;
	v4 =	vor.u32 v2, v1;
	v1 =	vand.u32 $0x7, v12;
	v2 =	vor.u32 $0x8, v12  }
0x2e: {  	s14 =	simm.s32 $0x13000;
	s16 =	simm.s32 $0x14000;
	[smem:$0x7F1] =	sst s13;
	v14 =	vor.u32 v11, v10;
	v11 =	vand.u32 $0x7, v9;
	v10 =	vadd.s32 s20, v12  }
0x2f: {  	s25 =	simm.s32 $0x17000;
	s26 =	simm.s32 $0x17800;
	[smem:$0x7F4] =	sst s14;
	v5 =	vperm.xlane v4, v1;
	v6 =	vperm.xlane v4, v2;
	v4 =	vadd.s32 s15, v12  }
0x30: {  	s24 =	simm.s32 $0x8000;
	s10 =	simm.s32 $0x800;
	[smem:$0x7F6] =	sst s16;
	v13 =	vor.u32 v11, v13;
	v11 =	vadd.s32 s21, v12;
	v12 =	vadd.s32 s1, v12  }
0x31: {  	s17 =	simm.s32 $0x4000;
	s4 =	simm.s32 $0x6000;
	[smem:$0x7FC] =	sst s25;
	v17 =	vperm.xlane v14, v1;
	v14 =	vperm.xlane v14, v2;
	v16 =	vshll.u32 v11, $0x3  }
0x32: {  	s8 =	smax.u32 s8, $0x1;
	[smem:$0x7FD] =	sst s26;
	s25 =	simm.s32 $0x10000;
	v15 =	vand.u32 $0x7, v11;
	v18 =	vperm.xlane v13, v2;
	v16 =	vand.u32 $0x7FFFFFC0, v16  }
0x33: {  	s26 =	simm.s32 $0x1;
	s11 =	simm.s32 $0x1000;
	s12 =	simm.s32 $0x1800;
	v5 =	vadd.s32 v3, v5;
	v15 =	vor.u32 v15, v16;
	v16 =	vperm.xlane v13, v1  }
0x34: {  	s13 =	simm.s32 $0x2000;
	s14 =	simm.s32 $0x2800;
	s16 =	simm.s32 $0x3800;
	v6 =	vadd.s32 v3, v6;
	v19 =	vperm.xlane v15, v1;
	v20 =	vperm.xlane v15, v2  }
0x35: {  	s20 =	simm.s32 $0x5800;
	s15 =	simm.s32 $0x13800;
	s21 =	simm.s32 $0x6800;
	v14 =	vadd.s32 v3, v14;
	v13 =	vadd.s32 v3, v17;
	v15 =	vadd.s32 v3, v16  }
0x36: {  	s1 =	simm.s32 $0x6;
	[smem:$0x7F5] =	sst s15;
	s15 =	simm.s32 $0x3000;
	v16 =	vadd.s32 v3, v18;
	v17 =	vadd.s32 v3, v19;
	v18 =	vadd.s32 v3, v20  }
.LBB2_1:
0x37: {  	[tilespmem:$0x18000] =	vst v0  }
0x38: {  	[tilespmem:$0x18010] =	vst v4  }
0x39: {  	[tilespmem:s3], [sflag:$0x1] =	stream.indirect_vreg.gather [hbm4b:s2+s3], $0x80, v5, vm0, $0xb8;
	[tilespmem:$0x18180] =	vst v63  }
0x3a: {  	_ = 	snop  }
0x3b: {  	[tilespmem:s10], [sflag:$0x1] =	stream.indirect_vreg.gather [hbm4b:s5+s3], $0x80, v5, vm0, $0xb8;
	[tilespmem:$0x18180] =	vst v63  }
0x3c: {  	_ = 	snop  }
0x3d: {  	[tilespmem:s11], [sflag:$0x1] =	stream.indirect_vreg.gather [hbm4b:s6+s3], $0x80, v5, vm0, $0xb8;
	[tilespmem:$0x18180] =	vst v63  }
0x3e: {  	_ = 	snop  }
0x3f: {  	[tilespmem:s12], [sflag:$0x1] =	stream.indirect_vreg.gather [hbm4b:s7+s3], $0x80, v5, vm0, $0xb8;
	[tilespmem:$0x18180] =	vst v63  }
0x40: {  	_ = 	snop  }
0x41: {  	[tilespmem:s13], [sflag:$0x1] =	stream.indirect_vreg.gather [hbm4b:s2+s3], $0x80, v6, vm0, $0xb8;
	[tilespmem:$0x18180] =	vst v63  }
0x42: {  	_ = 	snop  }
0x43: {  	[tilespmem:s14], [sflag:$0x1] =	stream.indirect_vreg.gather [hbm4b:s5+s3], $0x80, v6, vm0, $0xb8;
	[tilespmem:$0x18180] =	vst v63  }
0x44: {  	_ = 	snop  }
0x45: {  	[tilespmem:s15], [sflag:$0x1] =	stream.indirect_vreg.gather [hbm4b:s6+s3], $0x80, v6, vm0, $0xb8;
	[tilespmem:$0x18180] =	vst v63  }
0x46: {  	_ = 	snop  }
0x47: {  	[tilespmem:s16], [sflag:$0x1] =	stream.indirect_vreg.gather [hbm4b:s7+s3], $0x80, v6, vm0, $0xb8;
	[tilespmem:$0x18180] =	vst v63  }
0x48: {  	v19 =	vld [tilespmem:$0x18010];
	_ =	sdelay $0x4  }
0x49: {  	v20 =	vshll.u32 v19, $0x3  }
0x4a: {  	v19 =	vand.u32 $0x7, v19;
	v20 =	vand.u32 $0xFFFFFFC0, v20  }
0x4b: {  	v19 =	vor.u32 v19, v20  }
0x4c: {  	v20 =	vperm.xlane v19, v1;
	_ =	sdelay $0x1  }
0x4d: {  	v20 =	vadd.s32 v3, v20;
	_ =	sdelay $0x4  }
0x4e: {  	[tilespmem:s17], [sflag:$0x1] =	stream.indirect_vreg.gather [hbm4b:s2+s3], $0x80, v20, vm0, $0xb8;
	[tilespmem:$0x18180] =	vst v63  }
0x4f: {  	v19 =	vperm.xlane v19, v2  }
0x50: {  	[tilespmem:s18], [sflag:$0x1] =	stream.indirect_vreg.gather [hbm4b:s5+s3], $0x80, v20, vm0, $0xb8;
	[tilespmem:$0x18180] =	vst v63  }
0x51: {  	v19 =	vadd.s32 v3, v19  }
0x52: {  	[tilespmem:s19], [sflag:$0x1] =	stream.indirect_vreg.gather [hbm4b:s6+s3], $0x80, v20, vm0, $0xb8;
	[tilespmem:$0x18180] =	vst v63  }
0x53: {  	_ = 	snop  }
0x54: {  	[tilespmem:s20], [sflag:$0x1] =	stream.indirect_vreg.gather [hbm4b:s7+s3], $0x80, v20, vm0, $0xb8;
	[tilespmem:$0x18180] =	vst v63  }
0x55: {  	_ = 	snop  }
0x56: {  	[tilespmem:s4], [sflag:$0x1] =	stream.indirect_vreg.gather [hbm4b:s2+s3], $0x80, v19, vm0, $0xb8;
	[tilespmem:$0x18180] =	vst v63  }
0x57: {  	_ = 	snop  }
0x58: {  	[tilespmem:s21], [sflag:$0x1] =	stream.indirect_vreg.gather [hbm4b:s5+s3], $0x80, v19, vm0, $0xb8;
	[tilespmem:$0x18180] =	vst v63  }
0x59: {  	_ = 	snop  }
0x5a: {  	[tilespmem:s22], [sflag:$0x1] =	stream.indirect_vreg.gather [hbm4b:s6+s3], $0x80, v19, vm0, $0xb8;
	[tilespmem:$0x18180] =	vst v63  }
0x5b: {  	_ = 	snop  }
0x5c: {  	[tilespmem:s23], [sflag:$0x1] =	stream.indirect_vreg.gather [hbm4b:s7+s3], $0x80, v19, vm0, $0xb8;
	[tilespmem:$0x18180] =	vst v63  }
0x5d: {  	[tilespmem:$0x18080] =	vst v7  }
0x5e: {  	[tilespmem:$0x18090] =	vst v8  }
0x5f: {  	[tilespmem:s24], [sflag:$0x2] =	stream.indirect_vreg.gather [hbm4b:s2+s3], $0x80, v13, vm0, $0xb8;
	[tilespmem:$0x18180] =	vst v63  }
0x60: {  	s0 =	rddreg [dreg:$0x12]  }
0x61: {  	[tilespmem:s0], [sflag:$0x2] =	stream.indirect_vreg.gather [hbm4b:s5+s3], $0x80, v13, vm0, $0xb8;
	[tilespmem:$0x18180] =	vst v63  }
0x62: {  	s9 =	rddreg [dreg:$0x13]  }
0x63: {  	[tilespmem:s9], [sflag:$0x2] =	stream.indirect_vreg.gather [hbm4b:s6+s3], $0x80, v13, vm0, $0xb8;
	[tilespmem:$0x18180] =	vst v63  }
0x64: {  	s0 =	rddreg [dreg:$0x14]  }
0x65: {  	[tilespmem:s0], [sflag:$0x2] =	stream.indirect_vreg.gather [hbm4b:s7+s3], $0x80, v13, vm0, $0xb8;
	[tilespmem:$0x18180] =	vst v63  }
0x66: {  	s9 =	rddreg [dreg:$0x15]  }
0x67: {  	[tilespmem:s9], [sflag:$0x2] =	stream.indirect_vreg.gather [hbm4b:s2+s3], $0x80, v14, vm0, $0xb8;
	[tilespmem:$0x18180] =	vst v63  }
0x68: {  	s0 =	rddreg [dreg:$0x16]  }
0x69: {  	[tilespmem:s0], [sflag:$0x2] =	stream.indirect_vreg.gather [hbm4b:s5+s3], $0x80, v14, vm0, $0xb8;
	[tilespmem:$0x18180] =	vst v63  }
0x6a: {  	s9 =	rddreg [dreg:$0x17]  }
0x6b: {  	[tilespmem:s9], [sflag:$0x2] =	stream.indirect_vreg.gather [hbm4b:s6+s3], $0x80, v14, vm0, $0xb8;
	[tilespmem:$0x18180] =	vst v63  }
0x6c: {  	s0 =	rddreg [dreg:$0x18]  }
0x6d: {  	[tilespmem:s0], [sflag:$0x2] =	stream.indirect_vreg.gather [hbm4b:s7+s3], $0x80, v14, vm0, $0xb8;
	[tilespmem:$0x18180] =	vst v63  }
0x6e: {  	v19 =	vld [tilespmem:$0x18090];
	_ =	sdelay $0x4  }
0x6f: {  	v20 =	vshll.u32 v19, $0x3  }
0x70: {  	v19 =	vand.u32 $0x7, v19;
	v20 =	vand.u32 $0xFFFFFFC0, v20  }
0x71: {  	v19 =	vor.u32 v19, v20  }
0x72: {  	v20 =	vperm.xlane v19, v1;
	_ =	sdelay $0x1  }
0x73: {  	v20 =	vadd.s32 v3, v20;
	_ =	sdelay $0x2  }
0x74: {  	s9 =	rddreg [dreg:$0x1a]  }
0x75: {  	s0 =	rddreg [dreg:$0x19]  }
0x76: {  	[tilespmem:s0], [sflag:$0x2] =	stream.indirect_vreg.gather [hbm4b:s2+s3], $0x80, v20, vm0, $0xb8;
	[tilespmem:$0x18180] =	vst v63  }
0x77: {  	v19 =	vperm.xlane v19, v2;
	s0 =	rddreg [dreg:$0x1b]  }
0x78: {  	[tilespmem:s9], [sflag:$0x2] =	stream.indirect_vreg.gather [hbm4b:s5+s3], $0x80, v20, vm0, $0xb8;
	[tilespmem:$0x18180] =	vst v63  }
0x79: {  	v19 =	vadd.s32 v3, v19;
	s9 =	rddreg [dreg:$0x1c]  }
0x7a: {  	[tilespmem:s0], [sflag:$0x2] =	stream.indirect_vreg.gather [hbm4b:s6+s3], $0x80, v20, vm0, $0xb8;
	[tilespmem:$0x18180] =	vst v63  }
0x7b: {  	s0 =	rddreg [dreg:$0x1d]  }
0x7c: {  	[tilespmem:s9], [sflag:$0x2] =	stream.indirect_vreg.gather [hbm4b:s7+s3], $0x80, v20, vm0, $0xb8;
	[tilespmem:$0x18180] =	vst v63  }
0x7d: {  	s9 =	rddreg [dreg:$0x1e]  }
0x7e: {  	[tilespmem:s0], [sflag:$0x2] =	stream.indirect_vreg.gather [hbm4b:s2+s3], $0x80, v19, vm0, $0xb8;
	[tilespmem:$0x18180] =	vst v63  }
0x7f: {  	s0 =	rddreg [dreg:$0x1f]  }
0x80: {  	[tilespmem:s9], [sflag:$0x2] =	stream.indirect_vreg.gather [hbm4b:s5+s3], $0x80, v19, vm0, $0xb8;
	[tilespmem:$0x18180] =	vst v63  }
0x81: {  	s9 =	sld [smem:$0x7EE]  }
0x82: {  	[tilespmem:s0], [sflag:$0x2] =	stream.indirect_vreg.gather [hbm4b:s6+s3], $0x80, v19, vm0, $0xb8;
	[tilespmem:$0x18180] =	vst v63  }
0x83: {  	_ = 	snop  }
0x84: {  	[tilespmem:s9], [sflag:$0x2] =	stream.indirect_vreg.gather [hbm4b:s7+s3], $0x80, v19, vm0, $0xb8;
	[tilespmem:$0x18180] =	vst v63  }
0x85: {  	[tilespmem:$0x18100] =	vst v9  }
0x86: {  	s0 =	sld [smem:$0x7EF];
	[tilespmem:$0x18110] =	vst v10  }
0x87: {  	[tilespmem:s25], [sflag:$0x3] =	stream.indirect_vreg.gather [hbm4b:s2+s3], $0x80, v15, vm0, $0xb8;
	[tilespmem:$0x18180] =	vst v63  }
0x88: {  	s9 =	sld [smem:$0x7F0]  }
0x89: {  	[tilespmem:s0], [sflag:$0x3] =	stream.indirect_vreg.gather [hbm4b:s5+s3], $0x80, v15, vm0, $0xb8;
	[tilespmem:$0x18180] =	vst v63  }
0x8a: {  	s0 =	sld [smem:$0x7F1]  }
0x8b: {  	[tilespmem:s9], [sflag:$0x3] =	stream.indirect_vreg.gather [hbm4b:s6+s3], $0x80, v15, vm0, $0xb8;
	[tilespmem:$0x18180] =	vst v63  }
0x8c: {  	s9 =	sld [smem:$0x7F2]  }
0x8d: {  	[tilespmem:s0], [sflag:$0x3] =	stream.indirect_vreg.gather [hbm4b:s7+s3], $0x80, v15, vm0, $0xb8;
	[tilespmem:$0x18180] =	vst v63  }
0x8e: {  	s0 =	sld [smem:$0x7F3]  }
0x8f: {  	[tilespmem:s9], [sflag:$0x3] =	stream.indirect_vreg.gather [hbm4b:s2+s3], $0x80, v16, vm0, $0xb8;
	[tilespmem:$0x18180] =	vst v63  }
0x90: {  	s9 =	sld [smem:$0x7F4]  }
0x91: {  	[tilespmem:s0], [sflag:$0x3] =	stream.indirect_vreg.gather [hbm4b:s5+s3], $0x80, v16, vm0, $0xb8;
	[tilespmem:$0x18180] =	vst v63  }
0x92: {  	s0 =	sld [smem:$0x7F5]  }
0x93: {  	[tilespmem:s9], [sflag:$0x3] =	stream.indirect_vreg.gather [hbm4b:s6+s3], $0x80, v16, vm0, $0xb8;
	[tilespmem:$0x18180] =	vst v63  }
0x94: {  	_ = 	snop  }
0x95: {  	[tilespmem:s0], [sflag:$0x3] =	stream.indirect_vreg.gather [hbm4b:s7+s3], $0x80, v16, vm0, $0xb8;
	[tilespmem:$0x18180] =	vst v63  }
0x96: {  	v19 =	vld [tilespmem:$0x18110];
	_ =	sdelay $0x4  }
0x97: {  	v20 =	vshll.u32 v19, $0x3  }
0x98: {  	v19 =	vand.u32 $0x7, v19;
	v20 =	vand.u32 $0xFFFFFFC0, v20  }
0x99: {  	v19 =	vor.u32 v19, v20  }
0x9a: {  	v20 =	vperm.xlane v19, v1;
	_ =	sdelay $0x1  }
0x9b: {  	v20 =	vadd.s32 v3, v20;
	_ =	sdelay $0x1  }
0x9c: {  	s0 =	sld [smem:$0x7F6];
	_ =	sdelay $0x1  }
0x9d: {  	s9 =	sld [smem:$0x7F7]  }
0x9e: {  	[tilespmem:s0], [sflag:$0x3] =	stream.indirect_vreg.gather [hbm4b:s2+s3], $0x80, v20, vm0, $0xb8;
	[tilespmem:$0x18180] =	vst v63  }
0x9f: {  	v19 =	vperm.xlane v19, v2;
	s0 =	sld [smem:$0x7F8]  }
0xa0: {  	[tilespmem:s9], [sflag:$0x3] =	stream.indirect_vreg.gather [hbm4b:s5+s3], $0x80, v20, vm0, $0xb8;
	[tilespmem:$0x18180] =	vst v63  }
0xa1: {  	v19 =	vadd.s32 v3, v19;
	s9 =	sld [smem:$0x7F9]  }
0xa2: {  	[tilespmem:s0], [sflag:$0x3] =	stream.indirect_vreg.gather [hbm4b:s6+s3], $0x80, v20, vm0, $0xb8;
	[tilespmem:$0x18180] =	vst v63  }
0xa3: {  	s0 =	sld [smem:$0x7FA]  }
0xa4: {  	[tilespmem:s9], [sflag:$0x3] =	stream.indirect_vreg.gather [hbm4b:s7+s3], $0x80, v20, vm0, $0xb8;
	[tilespmem:$0x18180] =	vst v63  }
0xa5: {  	s9 =	sld [smem:$0x7FB]  }
0xa6: {  	[tilespmem:s0], [sflag:$0x3] =	stream.indirect_vreg.gather [hbm4b:s2+s3], $0x80, v19, vm0, $0xb8;
	[tilespmem:$0x18180] =	vst v63  }
0xa7: {  	s0 =	sld [smem:$0x7FC]  }
0xa8: {  	[tilespmem:s9], [sflag:$0x3] =	stream.indirect_vreg.gather [hbm4b:s5+s3], $0x80, v19, vm0, $0xb8;
	[tilespmem:$0x18180] =	vst v63  }
0xa9: {  	s9 =	sld [smem:$0x7FD]  }
0xaa: {  	[tilespmem:s0], [sflag:$0x3] =	stream.indirect_vreg.gather [hbm4b:s6+s3], $0x80, v19, vm0, $0xb8;
	[tilespmem:$0x18180] =	vst v63  }
0xab: {  	_ = 	snop  }
0xac: {  	[tilespmem:s9], [sflag:$0x3] =	stream.indirect_vreg.gather [hbm4b:s7+s3], $0x80, v19, vm0, $0xb8;
	[tilespmem:$0x18180] =	vst v63  }
0xad: {  	_ =	swait.ge [sflag:s26], $0x8000  }
0xae: {  	s9 =	sld [smem:$0x7ED]  }
0xaf: {  	[sflag:s26] =	ssyncset.done $0x0  }
0xb0: {  	[sflag:s26] =	ssyncadd.s32 $0xFFFF8000  }
0xb1: {  	[hbm4b:s9+s3] =	stream.linear.scatter [tilespmem:s3], [sflag:$0x4], $0x8000, $0x38;
	[tilespmem:$0x18180] =	vst v63  }
0xb2: {  	s0 =	rddreg [dreg:$0x3]  }
0xb3: {  	[hbm4b:s0+s3] =	stream.linear.scatter [tilespmem:s3], [sflag:$0x4], $0x8000, $0x38;
	[tilespmem:$0x18180] =	vst v63  }
0xb4: {  	s9 =	rddreg [dreg:$0x4]  }
0xb5: {  	[hbm4b:s9+s3] =	stream.linear.scatter [tilespmem:s3], [sflag:$0x4], $0x8000, $0x38;
	[tilespmem:$0x18180] =	vst v63  }
0xb6: {  	s0 =	rddreg [dreg:$0x5]  }
0xb7: {  	[hbm4b:s0+s3] =	stream.linear.scatter [tilespmem:s3], [sflag:$0x4], $0x8000, $0x38;
	[tilespmem:$0x18180] =	vst v63  }
0xb8: {  	_ =	swait.ge [sflag:s28], $0x8000  }
0xb9: {  	[sflag:s28] =	ssyncset.done $0x0  }
0xba: {  	[sflag:s28] =	ssyncadd.s32 $0xFFFF8000  }
0xbb: {  	_ =	swait.ge [sflag:s28], $0x8000  }
0xbc: {  	[sflag:s28] =	ssyncset.done $0x0  }
0xbd: {  	[sflag:s28] =	ssyncadd.s32 $0xFFFF8000  }
0xbe: {  	_ =	swait.ge [sflag:s28], $0x8000  }
0xbf: {  	[sflag:s28] =	ssyncset.done $0x0  }
0xc0: {  	[sflag:s28] =	ssyncadd.s32 $0xFFFF8000  }
0xc1: {  	_ =	swait.ge [sflag:s28], $0x8000  }
0xc2: {  	[sflag:s28] =	ssyncset.done $0x0  }
0xc3: {  	[sflag:s28] =	ssyncadd.s32 $0xFFFF8000  }
0xc4: {  	[tilespmem:$0x18000] =	vst v11  }
0xc5: {  	[tilespmem:$0x18010] =	vst v12  }
0xc6: {  	[tilespmem:s3], [sflag:$0x1] =	stream.indirect_vreg.gather [hbm4b:s2+s3], $0x80, v17, vm0, $0xb8;
	[tilespmem:$0x18180] =	vst v63  }
0xc7: {  	_ = 	snop  }
0xc8: {  	[tilespmem:s10], [sflag:$0x1] =	stream.indirect_vreg.gather [hbm4b:s5+s3], $0x80, v17, vm0, $0xb8;
	[tilespmem:$0x18180] =	vst v63  }
0xc9: {  	_ = 	snop  }
0xca: {  	[tilespmem:s11], [sflag:$0x1] =	stream.indirect_vreg.gather [hbm4b:s6+s3], $0x80, v17, vm0, $0xb8;
	[tilespmem:$0x18180] =	vst v63  }
0xcb: {  	_ = 	snop  }
0xcc: {  	[tilespmem:s12], [sflag:$0x1] =	stream.indirect_vreg.gather [hbm4b:s7+s3], $0x80, v17, vm0, $0xb8;
	[tilespmem:$0x18180] =	vst v63  }
0xcd: {  	_ = 	snop  }
0xce: {  	[tilespmem:s13], [sflag:$0x1] =	stream.indirect_vreg.gather [hbm4b:s2+s3], $0x80, v18, vm0, $0xb8;
	[tilespmem:$0x18180] =	vst v63  }
0xcf: {  	_ = 	snop  }
0xd0: {  	[tilespmem:s14], [sflag:$0x1] =	stream.indirect_vreg.gather [hbm4b:s5+s3], $0x80, v18, vm0, $0xb8;
	[tilespmem:$0x18180] =	vst v63  }
0xd1: {  	_ = 	snop  }
0xd2: {  	[tilespmem:s15], [sflag:$0x1] =	stream.indirect_vreg.gather [hbm4b:s6+s3], $0x80, v18, vm0, $0xb8;
	[tilespmem:$0x18180] =	vst v63  }
0xd3: {  	_ = 	snop  }
0xd4: {  	[tilespmem:s16], [sflag:$0x1] =	stream.indirect_vreg.gather [hbm4b:s7+s3], $0x80, v18, vm0, $0xb8;
	[tilespmem:$0x18180] =	vst v63  }
0xd5: {  	v19 =	vld [tilespmem:$0x18010];
	_ =	sdelay $0x4  }
0xd6: {  	v20 =	vshll.u32 v19, $0x3  }
0xd7: {  	v19 =	vand.u32 $0x7, v19;
	v20 =	vand.u32 $0xFFFFFFC0, v20  }
0xd8: {  	v19 =	vor.u32 v19, v20  }
0xd9: {  	v20 =	vperm.xlane v19, v1;
	_ =	sdelay $0x1  }
0xda: {  	v20 =	vadd.s32 v3, v20;
	_ =	sdelay $0x4  }
0xdb: {  	[tilespmem:s17], [sflag:$0x1] =	stream.indirect_vreg.gather [hbm4b:s2+s3], $0x80, v20, vm0, $0xb8;
	[tilespmem:$0x18180] =	vst v63  }
0xdc: {  	v19 =	vperm.xlane v19, v2  }
0xdd: {  	[tilespmem:s18], [sflag:$0x1] =	stream.indirect_vreg.gather [hbm4b:s5+s3], $0x80, v20, vm0, $0xb8;
	[tilespmem:$0x18180] =	vst v63  }
0xde: {  	v19 =	vadd.s32 v3, v19  }
0xdf: {  	[tilespmem:s19], [sflag:$0x1] =	stream.indirect_vreg.gather [hbm4b:s6+s3], $0x80, v20, vm0, $0xb8;
	[tilespmem:$0x18180] =	vst v63  }
0xe0: {  	_ = 	snop  }
0xe1: {  	[tilespmem:s20], [sflag:$0x1] =	stream.indirect_vreg.gather [hbm4b:s7+s3], $0x80, v20, vm0, $0xb8;
	[tilespmem:$0x18180] =	vst v63  }
0xe2: {  	_ = 	snop  }
0xe3: {  	[tilespmem:s4], [sflag:$0x1] =	stream.indirect_vreg.gather [hbm4b:s2+s3], $0x80, v19, vm0, $0xb8;
	[tilespmem:$0x18180] =	vst v63  }
0xe4: {  	_ = 	snop  }
0xe5: {  	[tilespmem:s21], [sflag:$0x1] =	stream.indirect_vreg.gather [hbm4b:s5+s3], $0x80, v19, vm0, $0xb8;
	[tilespmem:$0x18180] =	vst v63  }
0xe6: {  	_ = 	snop  }
0xe7: {  	[tilespmem:s22], [sflag:$0x1] =	stream.indirect_vreg.gather [hbm4b:s6+s3], $0x80, v19, vm0, $0xb8;
	[tilespmem:$0x18180] =	vst v63  }
0xe8: {  	_ = 	snop  }
0xe9: {  	[tilespmem:s23], [sflag:$0x1] =	stream.indirect_vreg.gather [hbm4b:s7+s3], $0x80, v19, vm0, $0xb8;
	[tilespmem:$0x18180] =	vst v63  }
0xea: {  	_ =	swait.ge [sflag:s29], $0x8000  }
0xeb: {  	[sflag:s29] =	ssyncset.done $0x0  }
0xec: {  	s0 =	rddreg [dreg:$0x6];
	[sflag:s29] =	ssyncadd.s32 $0xFFFF8000  }
0xed: {  	[hbm4b:s0+s3] =	stream.linear.scatter [tilespmem:s24], [sflag:$0x5], $0x8000, $0x38;
	[tilespmem:$0x18180] =	vst v63  }
0xee: {  	s9 =	rddreg [dreg:$0x7]  }
0xef: {  	[hbm4b:s9+s3] =	stream.linear.scatter [tilespmem:s24], [sflag:$0x5], $0x8000, $0x38;
	[tilespmem:$0x18180] =	vst v63  }
0xf0: {  	s0 =	rddreg [dreg:$0x8]  }
0xf1: {  	[hbm4b:s0+s3] =	stream.linear.scatter [tilespmem:s24], [sflag:$0x5], $0x8000, $0x38;
	[tilespmem:$0x18180] =	vst v63  }
0xf2: {  	s9 =	rddreg [dreg:$0x9]  }
0xf3: {  	[hbm4b:s9+s3] =	stream.linear.scatter [tilespmem:s24], [sflag:$0x5], $0x8000, $0x38;
	[tilespmem:$0x18180] =	vst v63  }
0xf4: {  	_ =	swait.ge [sflag:s30], $0x8000  }
0xf5: {  	[sflag:s30] =	ssyncset.done $0x0  }
0xf6: {  	s0 =	rddreg [dreg:$0xa];
	[sflag:s30] =	ssyncadd.s32 $0xFFFF8000  }
0xf7: {  	[hbm4b:s0+s3] =	stream.linear.scatter [tilespmem:s25], [sflag:$0x6], $0x8000, $0x38;
	[tilespmem:$0x18180] =	vst v63  }
0xf8: {  	s9 =	rddreg [dreg:$0xb]  }
0xf9: {  	[hbm4b:s9+s3] =	stream.linear.scatter [tilespmem:s25], [sflag:$0x6], $0x8000, $0x38;
	[tilespmem:$0x18180] =	vst v63  }
0xfa: {  	s0 =	rddreg [dreg:$0xc]  }
0xfb: {  	[hbm4b:s0+s3] =	stream.linear.scatter [tilespmem:s25], [sflag:$0x6], $0x8000, $0x38;
	[tilespmem:$0x18180] =	vst v63  }
0xfc: {  	s9 =	rddreg [dreg:$0xd]  }
0xfd: {  	[hbm4b:s9+s3] =	stream.linear.scatter [tilespmem:s25], [sflag:$0x6], $0x8000, $0x38;
	[tilespmem:$0x18180] =	vst v63  }
0xfe: {  	_ =	swait.ge [sflag:s26], $0x8000  }
0xff: {  	[sflag:s26] =	ssyncset.done $0x0  }
0x100: {  	s0 =	rddreg [dreg:$0xe];
	[sflag:s26] =	ssyncadd.s32 $0xFFFF8000  }
0x101: {  	[hbm4b:s0+s3] =	stream.linear.scatter [tilespmem:s3], [sflag:$0x4], $0x8000, $0x38;
	[tilespmem:$0x18180] =	vst v63  }
0x102: {  	s9 =	rddreg [dreg:$0xf]  }
0x103: {  	[hbm4b:s9+s3] =	stream.linear.scatter [tilespmem:s3], [sflag:$0x4], $0x8000, $0x38;
	[tilespmem:$0x18180] =	vst v63  }
0x104: {  	s0 =	rddreg [dreg:$0x10]  }
0x105: {  	[hbm4b:s0+s3] =	stream.linear.scatter [tilespmem:s3], [sflag:$0x4], $0x8000, $0x38;
	[tilespmem:$0x18180] =	vst v63  }
0x106: {  	s9 =	rddreg [dreg:$0x11]  }
0x107: {  	[hbm4b:s9+s3] =	stream.linear.scatter [tilespmem:s3], [sflag:$0x4], $0x8000, $0x38;
	[tilespmem:$0x18180] =	vst v63  }
0x108: {  	_ =	swait.ge [sflag:s28], $0x8000  }
0x109: {  	[sflag:s28] =	ssyncset.done $0x0  }
0x10a: {  	[sflag:s28] =	ssyncadd.s32 $0xFFFF8000  }
0x10b: {  	_ =	swait.ge [sflag:s28], $0x8000  }
0x10c: {  	[sflag:s28] =	ssyncset.done $0x0  }
0x10d: {  	[sflag:s28] =	ssyncadd.s32 $0xFFFF8000  }
0x10e: {  	_ =	swait.ge [sflag:s28], $0x8000  }
0x10f: {  	[sflag:s28] =	ssyncset.done $0x0  }
0x110: {  	[sflag:s28] =	ssyncadd.s32 $0xFFFF8000  }
0x111: {  	_ =	swait.ge [sflag:s28], $0x8000  }
0x112: {  	[sflag:s28] =	ssyncset.done $0x0  }
0x113: {  	[sflag:s28] =	ssyncadd.s32 $0xFFFF8000  }
0x114: {  	_ =	swait.ge [sflag:s31], $0x8000  }
0x115: {  	[sflag:s31] =	ssyncset.done $0x0  }
0x116: {  	[sflag:s31] =	ssyncadd.s32 $0xFFFF8000  }
0x117: {  	_ =	swait.ge [sflag:s31], $0x8000  }
0x118: {  	[sflag:s31] =	ssyncset.done $0x0  }
0x119: {  	[sflag:s31] =	ssyncadd.s32 $0xFFFF8000  }
0x11a: {  	_ =	swait.ge [sflag:s31], $0x8000  }
0x11b: {  	[sflag:s31] =	ssyncset.done $0x0  }
0x11c: {  	[sflag:s31] =	ssyncadd.s32 $0xFFFF8000  }
0x11d: {  	_ =	swait.ge [sflag:s31], $0x8000  }
0x11e: {  	[sflag:s31] =	ssyncset.done $0x0  }
0x11f: {  	[sflag:s31] =	ssyncadd.s32 $0xFFFF8000  }
0x120: {  	_ =	swait.ge [sflag:s1], $0x8000  }
0x121: {  	[sflag:s1] =	ssyncset.done $0x0  }
0x122: {  	[sflag:s1] =	ssyncadd.s32 $0xFFFF8000  }
0x123: {  	_ =	swait.ge [sflag:s1], $0x8000  }
0x124: {  	[sflag:s1] =	ssyncset.done $0x0  }
0x125: {  	[sflag:s1] =	ssyncadd.s32 $0xFFFF8000  }
0x126: {  	p0 =	sne.s32 s8, $0x1;
	_ =	swait.ge [sflag:s1], $0x8000  }
.Ltmp0:
0x127: {  	[sflag:s1] =	ssyncset.done $0x0;
	(pc) =	sbr.rel @p0 .LBB2_1-.Ltmp0, $4  }
0x128: {  	[sflag:s1] =	ssyncadd.s32 $0xFFFF8000  }
0x129: {  	_ =	swait.ge [sflag:s1], $0x8000  }
0x12a: {  	[sflag:s1] =	ssyncset.done $0x0  }
0x12b: {  	s8 =	sadd.s32 $0xFFFFFFFF, s8;
	[sflag:s1] =	ssyncadd.s32 $0xFFFF8000  }
0x12c: {  	_ =	sfence.sel $0x180000  }
0x12d: {  	[bflag:$0x0] =	sbarrier.arrive $0xFFFF  }
0x12e: {  	_ =	strace $0x90000047  }
0x12f: {  	s0 =	stileid.u32;
	[bflag:$0x2] =	sbarrier.arrive $0xFFFF  }
0x130: {  	p0 =	sne.s32 s0, $0x0;
	s0 =	rddreg [dreg:$0x2]  }
0x131: {  	s0 =	sadd.s32 @!p0 $0x100000, s0  }
0x132: {  	[sflag:s0] =	ssyncadd.tile.s32 @!p0 $0x1;
	_ =	shalt  }
.Lfunc_end2:
_tile_overlayer_lowered:
.L_overlay_start_2:
0x133: {  	(tag) =	ssettag $0x2  }
0x134: {  	s0 =	rddreg [dreg:$0x0];
	s2 =	stileid.u32  }
0x135: {  	s1 =	rddreg [dreg:$0x1];
	p0 =	sne.s32 s2, $0x0  }
0x136: {  	s3 =	rddreg [dreg:$0x2];
	[bflag:$0x3] =	sbarrier.arrive $0xFFFF;
	s2 =	simm.s32 @!p0 $0x1C07  }
0x137: {  	[timem:s3], [sflag:s2] =	dma.local @!p0 [hbm:s0], s1  }
0x138: {  	s0 =	simm.s32 @!p0 $0x7  }
0x139: {  	_ =	swait.ge @!p0 [sflag:s0], s1  }
0x13a: {  	s1 =	ssub.s32 @!p0 $0x0, s1;
	[sflag:s0] =	ssyncset.done @!p0 $0x0  }
0x13b: {  	[sflag:s0] =	ssyncadd.s32 @!p0 s1  }
0x13c: {  	[bflag:$0x3] =	sbarrier.arrive $0xFFFF  }
0x13d: {  	_ =	shalt  }

</sc_bundles>
